<compile_context>
chip_gen: v7x
topology: tpu7x:2x2x1
jax: 0.10.2.dev20260603
libtpu: 0.0.44.dev20260713+nightly
codegen_flags: <defaults>
</compile_context>

<pallas_src>
import jax
import jax.numpy as jnp
from jax import lax
from jax.experimental import pallas as pl
from jax.experimental.pallas import tpu as pltpu
from jax.experimental.pallas import tpu_sc as plsc

_LAMB = 1.0
_N = 10000
_E = 320000
_D = 128
_NC = 2
_NS = 16
_NW = _NC * _NS
_EPW = _E // _NW
_K = 80
_NCH = _EPW // _K
_NP = 10240
_RPT = _NP // _NS



def _deg_body(row_hbm, col_hbm, degp_hbm, diagp_hbm, rowv, colv, hist, hist2):
    cid = lax.axis_index("c")
    sid = lax.axis_index("s")
    wid = cid * _NS + sid
    pltpu.sync_copy(row_hbm.at[pl.ds(wid * _EPW, _EPW)], rowv)
    pltpu.sync_copy(col_hbm.at[pl.ds(wid * _EPW, _EPW)], colv)
    zeros16 = jnp.zeros((16,), jnp.float32)

    def zloop(i, c):
        hist[pl.ds(i * 16, 16)] = zeros16
        hist2[pl.ds(i * 16, 16)] = zeros16
        return c

    lax.fori_loop(0, _N // 16, zloop, 0)
    ones16 = jnp.ones((16,), jnp.float32)

    def step(i, c):
        c16 = colv[pl.ds(i * 16, 16)]
        plsc.addupdate_scatter(hist, [c16], ones16)
        r16 = rowv[pl.ds(i * 16, 16)]
        plsc.addupdate_scatter(hist2, [r16], ones16, mask=r16 == c16)
        return c

    lax.fori_loop(0, _EPW // 16, step, 0)
    pltpu.sync_copy(hist, degp_hbm.at[wid])
    pltpu.sync_copy(hist2, diagp_hbm.at[wid])


_deg = pl.kernel(
    _deg_body,
    out_type=(
        jax.ShapeDtypeStruct((_NW, _N), jnp.float32),
        jax.ShapeDtypeStruct((_NW, _N), jnp.float32),
    ),
    mesh=plsc.VectorSubcoreMesh(core_axis_name="c", subcore_axis_name="s"),
    compiler_params=pltpu.CompilerParams(needs_layout_passes=False),
    scratch_types=[
        pltpu.VMEM((_EPW,), jnp.int32),
        pltpu.VMEM((_EPW,), jnp.int32),
        pltpu.VMEM((_N,), jnp.float32),
        pltpu.VMEM((_N,), jnp.float32),
    ],
)



_NB = 3


def _agg_body(z_hbm, rowp_hbm, colp_hbm, zeros_hbm, parts_hbm,
              colv, ir0, ir1, ir2, b0, b1, b2, acc,
              gA, gB, gC, sA, sB, sC, irA, irB, irC):
    irs = (ir0, ir1, ir2)
    bufs = (b0, b1, b2)
    gs = (gA, gB, gC)
    ss = (sA, sB, sC)
    irsem = (irA, irB, irC)
    cid = lax.axis_index("c")
    sid = lax.axis_index("s")
    wid = cid * _NS + sid
    pltpu.sync_copy(zeros_hbm.at[pl.ds(sid * _RPT, _RPT)],
                    acc.at[pl.ds(sid * _RPT, _RPT)])
    pltpu.sync_copy(colp_hbm.at[pl.ds(wid * _EPW, _EPW)], colv)
    plsc.subcore_barrier()
    rbase = wid * _EPW

    def ir_start(j, p):
        pltpu.async_copy(rowp_hbm.at[pl.ds(rbase + j * _K, _K)], irs[p],
                         irsem[p])

    def ir_wait(p):
        pltpu.make_async_copy(rowp_hbm.at[pl.ds(rbase, _K)], irs[p],
                              irsem[p]).wait()

    def g_start(j, p):
        pltpu.async_copy(z_hbm.at[colv.at[pl.ds(j * _K, _K)]], bufs[p], gs[p])

    def g_wait(p):
        pltpu.make_async_copy(z_hbm.at[colv.at[pl.ds(0, _K)]], bufs[p],
                              gs[p]).wait()

    def s_start(p):
        pltpu.async_copy(bufs[p], acc.at[irs[p]], ss[p], add=True)

    def s_wait(p):
        pltpu.make_async_copy(bufs[p], acc.at[irs[p]], ss[p]).wait()

    ir_start(0, 0)
    ir_start(1, 1)
    g_start(0, 0)
    g_start(1, 1)
    ng = (_NCH + 1 + 2) // 3

    def group(i, carry):
        jb = i * 3
        for b in range(3):
            j = jb + b
            pg = (b + 2) % 3

            @pl.when((j >= 1) & (j <= _NCH))
            def _():
                s_wait(pg)

            ir_start(jnp.minimum(j + 2, _NCH - 1), pg)
            g_start(jnp.minimum(j + 2, _NCH - 1), pg)
            g_wait(b)
            ir_wait(b)

            @pl.when(j < _NCH)
            def _():
                s_start(b)

        return carry

    lax.fori_loop(0, ng, group, 0)
    ir_wait(0)
    ir_wait(1)
    g_wait(0)
    g_wait(1)
    plsc.subcore_barrier()
    pltpu.sync_copy(acc.at[pl.ds(sid * _RPT, _RPT)],
                    parts_hbm.at[cid, pl.ds(sid * _RPT, _RPT)])


_agg = pl.kernel(
    _agg_body,
    out_type=jax.ShapeDtypeStruct((_NC, _NP, _D), jnp.float32),
    mesh=plsc.VectorSubcoreMesh(core_axis_name="c", subcore_axis_name="s"),
    scratch_types=(
        [pltpu.VMEM((_EPW,), jnp.int32)]
        + [pltpu.VMEM((_K,), jnp.int32) for _ in range(3)]
        + [pltpu.VMEM((_K, _D), jnp.float32) for _ in range(3)]
        + [pltpu.VMEM_SHARED((_NP, _D), jnp.float32)]
        + [pltpu.SemaphoreType.DMA for _ in range(9)]
    ),
)



def _prep_body(degp_ref, diagp_ref, x_ref, z_ref, dn_ref, cv_ref):
    deg = 1.0 + jnp.sum(degp_ref[...], axis=0)
    dn = 1.0 / deg
    cv = dn + _LAMB * (1.0 + jnp.sum(diagp_ref[...], axis=0))
    dn_ref[...] = dn[:, None]
    cv_ref[...] = cv[:, None]
    z_ref[...] = dn[:, None] * x_ref[...]


def _prep(degp, diagp, x):
    return pl.pallas_call(
        _prep_body,
        out_shape=(
            jax.ShapeDtypeStruct((_N, _D), jnp.float32),
            jax.ShapeDtypeStruct((_N, 1), jnp.float32),
            jax.ShapeDtypeStruct((_N, 1), jnp.float32),
        ),
    )(degp, diagp, x)



def _layer1_body(p_ref, x_ref, cv_ref, dn_ref, w_ref, b_ref, y_ref, z_ref):
    u = p_ref[0] + p_ref[1] + cv_ref[...] * x_ref[...]
    y = jnp.maximum(u @ w_ref[...] + b_ref[...][None, :], 0.0)
    y_ref[...] = y
    z_ref[...] = dn_ref[...] * y


def _layer1(p, x, cv, dn, W1, b1):
    BR = 1000
    return pl.pallas_call(
        _layer1_body,
        grid=(_N // BR,),
        in_specs=[
            pl.BlockSpec((_NC, BR, _D), lambda i: (0, i, 0)),
            pl.BlockSpec((BR, _D), lambda i: (i, 0)),
            pl.BlockSpec((BR, 1), lambda i: (i, 0)),
            pl.BlockSpec((BR, 1), lambda i: (i, 0)),
            pl.BlockSpec((_D, _D), lambda i: (0, 0)),
            pl.BlockSpec((_D,), lambda i: (0,)),
        ],
        out_specs=(
            pl.BlockSpec((BR, _D), lambda i: (i, 0)),
            pl.BlockSpec((BR, _D), lambda i: (i, 0)),
        ),
        out_shape=(
            jax.ShapeDtypeStruct((_N, _D), jnp.float32),
            jax.ShapeDtypeStruct((_N, _D), jnp.float32),
        ),
    )(p, x, cv, dn, W1, b1)


def _layer2_body(p_ref, y_ref, cv_ref, w_ref, b_ref, o_ref):
    u = p_ref[0] + p_ref[1] + cv_ref[...] * y_ref[...]
    v = u @ w_ref[...] + b_ref[...][None, :]
    m = jnp.max(v, axis=-1, keepdims=True)
    e = jnp.exp(v - m)
    o_ref[...] = v - m - jnp.log(jnp.sum(e, axis=-1, keepdims=True))


def _layer2(p, y1, cv, W2, b2):
    BR = 1000
    return pl.pallas_call(
        _layer2_body,
        grid=(_N // BR,),
        in_specs=[
            pl.BlockSpec((_NC, BR, _D), lambda i: (0, i, 0)),
            pl.BlockSpec((BR, _D), lambda i: (i, 0)),
            pl.BlockSpec((BR, 1), lambda i: (i, 0)),
            pl.BlockSpec((_D, _D), lambda i: (0, 0)),
            pl.BlockSpec((_D,), lambda i: (0,)),
        ],
        out_specs=pl.BlockSpec((BR, _D), lambda i: (i, 0)),
        out_shape=jax.ShapeDtypeStruct((_N, _D), jnp.float32),
    )(p, y1, cv, W2, b2)



def kernel(x, edge_index, W1, b1, W2, b2):
    row = edge_index[0].astype(jnp.int32)
    col = edge_index[1].astype(jnp.int32)
    zeros = jnp.zeros((_NP, _D), jnp.float32)

    degp, diagp = _deg(row, col)
    z1, dn, cv = _prep(degp, diagp, x)
    p1 = _agg(z1, row, col, zeros)
    y1, z2 = _layer1(p1, x, cv, dn, W1, b1)
    p2 = _agg(z2, row, col, zeros)
    return _layer2(p2, y1, cv, W2, b2)

# --- scband reference (transcript-rebuilt; emitter-appended) ---
"""Pipeline reference for scband-net-38371237823153 (READ-ONLY COPY).

The authoritative reference and input builder live on the scoring server;
editing this copy changes nothing except your own understanding.
"""

import jax, jax.numpy as jnp
import numpy as np

N_NODES = 10000
N_EDGES = 320000
D_IN = 128
D_HID = 128
D_OUT = 128
LAMB = 1.0


def _glorot(key, shape):
    limit = float(np.sqrt(6.0 / (shape[0] + shape[1])))
    return jax.random.uniform(key, shape, dtype=jnp.float32, minval=-limit, maxval=limit)


def setup_inputs(seed: int = 0) -> dict:
    key = jax.random.key(seed)
    k1, k2, k3, k4 = jax.random.split(key, 4)
    x = jax.random.normal(k1, (N_NODES, D_IN), dtype=jnp.float32)
    edge_index = jax.random.randint(k2, (2, N_EDGES), 0, N_NODES, dtype=jnp.int64)
    W1 = _glorot(k3, (D_IN, D_HID))
    b1 = jnp.zeros((D_HID,), dtype=jnp.float32)
    W2 = _glorot(k4, (D_HID, D_OUT))
    b2 = jnp.zeros((D_OUT,), dtype=jnp.float32)
    return {"x": x, "edge_index": edge_index, "W1": W1, "b1": b1, "W2": W2, "b2": b2}


def _gcn_layer(x, edge_index, W, b, lamb=LAMB):
    # Faithful sparse-equivalent of the dense A_hat construction in GCNConv.forward:
    #   A_hat = deg_norm * A + lamb * diag(A) * I ; out = A_hat @ (x @ W) + b
    N = x.shape[0]
    self_loops = jnp.arange(N, dtype=edge_index.dtype)
    row = jnp.concatenate([edge_index[0], self_loops])
    col = jnp.concatenate([edge_index[1], self_loops])
    # degree over col (after self loops); deg >= 1 so reciprocal is finite
    deg = jnp.zeros((N,), dtype=jnp.float32).at[col].add(1.0)
    deg_norm = 1.0 / deg
    # diag(A): sum of edge values where row == col (duplicates sum, as in to_dense)
    diagA = jnp.zeros((N,), dtype=jnp.float32).at[row].add((row == col).astype(jnp.float32))
    xw = x @ W  # [N, d_out]
    # out[i] += deg_norm[j] * xw[j] for each edge (i, j)  (scatter-add / SparseCore)
    msg = deg_norm[col][:, None] * jnp.take(xw, col, axis=0)
    out = jnp.zeros((N, W.shape[1]), dtype=jnp.float32).at[row].add(msg)
    out = out + lamb * diagA[:, None] * xw
    return out + b


def reference(x, edge_index, W1, b1, W2, b2):
    h = _gcn_layer(x, edge_index, W1, b1)
    h = jax.nn.relu(h)
    # dropout is identity in eval mode
    h = _gcn_layer(h, edge_index, W2, b2)
    return jax.nn.log_softmax(h, axis=-1)

if __name__ == "__main__":
    import jax
    _d = setup_inputs()
    print(jax.jit(kernel)(*tuple(_d.values())))

</pallas_src>

<mosaic_0001>
#map = affine_map<(d0, d1) -> (0, 0)>
#map1 = affine_map<(d0, d1) -> (0)>
#map2 = affine_map<(d0, d1) -> (0, 0, 0)>
module attributes {stable_mosaic.version = 14 : i64} {
  func.func @_agg_body(%arg0: i32, %arg1: i32, %arg2: memref<10000x128xf32, #tpu.memory_space<hbm>>, %arg3: memref<320000xi32, #tpu.memory_space<hbm>>, %arg4: memref<320000xi32, #tpu.memory_space<hbm>>, %arg5: memref<10240x128xf32, #tpu.memory_space<hbm>>, %arg6: memref<2x10240x128xf32, #tpu.memory_space<hbm>>, %arg7: memref<10000xi32, #tpu.memory_space<vmem>>, %arg8: memref<80xi32, #tpu.memory_space<vmem>>, %arg9: memref<80xi32, #tpu.memory_space<vmem>>, %arg10: memref<80xi32, #tpu.memory_space<vmem>>, %arg11: memref<80x128xf32, #tpu.memory_space<vmem>>, %arg12: memref<80x128xf32, #tpu.memory_space<vmem>>, %arg13: memref<80x128xf32, #tpu.memory_space<vmem>>, %arg14: memref<10240x128xf32, #tpu.memory_space<vmem_shared>>, %arg15: memref<!tpu.dma_semaphore, #tpu.memory_space<semaphore_mem>>, %arg16: memref<!tpu.dma_semaphore, #tpu.memory_space<semaphore_mem>>, %arg17: memref<!tpu.dma_semaphore, #tpu.memory_space<semaphore_mem>>, %arg18: memref<!tpu.dma_semaphore, #tpu.memory_space<semaphore_mem>>, %arg19: memref<!tpu.dma_semaphore, #tpu.memory_space<semaphore_mem>>, %arg20: memref<!tpu.dma_semaphore, #tpu.memory_space<semaphore_mem>>, %arg21: memref<!tpu.dma_semaphore, #tpu.memory_space<semaphore_mem>>, %arg22: memref<!tpu.dma_semaphore, #tpu.memory_space<semaphore_mem>>, %arg23: memref<!tpu.dma_semaphore, #tpu.memory_space<semaphore_mem>>) attributes {dimension_semantics = [#tpu.dimension_semantics<core_parallel>, #tpu.dimension_semantics<subcore_parallel>], iteration_bounds = array<i64: 2, 16>, scalar_prefetch = 0 : i64, scratch_operands = 17 : i64, tpu.core_type = #tpu.core_type<sc_vector_subcore>, window_params = [{transform_indices = #map}, {transform_indices = #map1}, {transform_indices = #map1}, {transform_indices = #map}, {transform_indices = #map2}]} {
    %mul3A = arith.constant 16 : i32
    %mul3A_0 = arith.muli %arg0, %mul3A : i32
    %add3A = arith.addi %mul3A_0, %arg1 : i32
    %mul3A_1 = arith.constant 640 : i32
    %mul3A_2 = arith.muli %arg1, %mul3A_1 : i32
    %mul3A_3 = arith.constant 640 : i32
    %mul3A_4 = arith.muli %arg1, %mul3A_3 : i32
    "tpu.region"() ({
      %run_scoped3A = tpu.sem_alloc : memref<!tpu.dma_semaphore, #tpu.memory_space<semaphore_mem>>
      %dma_start3A_49 = arith.constant 0 : i32
      %dma_start3A_50 = tpu.memref_slice %arg14[%mul3A_4, %dma_start3A_49] : memref<10240x128xf32, #tpu.memory_space<vmem_shared>> -> memref<640x128xf32, #tpu.memory_space<vmem_shared>>
      %dma_start3A_51 = arith.constant 0 : i32
      %dma_start3A_52 = tpu.memref_slice %arg5[%mul3A_2, %dma_start3A_51] : memref<10240x128xf32, #tpu.memory_space<hbm>> -> memref<640x128xf32, #tpu.memory_space<hbm>>
      tpu.enqueue_dma source(%dma_start3A_52 : memref<640x128xf32, #tpu.memory_space<hbm>>) target(%dma_start3A_50 : memref<640x128xf32, #tpu.memory_space<vmem_shared>>) target_semaphore(%run_scoped3A : memref<!tpu.dma_semaphore, #tpu.memory_space<semaphore_mem>>)
      %dma_wait3A_53 = arith.constant 0 : i32
      %dma_wait3A_54 = tpu.memref_slice %arg14[%mul3A_4, %dma_wait3A_53] : memref<10240x128xf32, #tpu.memory_space<vmem_shared>> -> memref<640x128xf32, #tpu.memory_space<vmem_shared>>
      %dma_wait3A_55 = arith.constant 0 : i32
      %dma_wait3A_56 = tpu.memref_slice %arg5[%mul3A_2, %dma_wait3A_55] : memref<10240x128xf32, #tpu.memory_space<hbm>> -> memref<640x128xf32, #tpu.memory_space<hbm>>
      tpu.wait_dma2 semaphore(%run_scoped3A : memref<!tpu.dma_semaphore, #tpu.memory_space<semaphore_mem>>) src(%dma_wait3A_56 : memref<640x128xf32, #tpu.memory_space<hbm>>) dst(%dma_wait3A_54 : memref<640x128xf32, #tpu.memory_space<vmem_shared>>)
      tpu.yield
    }) : () -> ()
    %mul3A_5 = arith.constant 10000 : i32
    %mul3A_6 = arith.muli %add3A, %mul3A_5 : i32
    "tpu.region"() ({
      %run_scoped3A = tpu.sem_alloc : memref<!tpu.dma_semaphore, #tpu.memory_space<semaphore_mem>>
      %dma_start3A_49 = tpu.memref_slice %arg4[%mul3A_6] : memref<320000xi32, #tpu.memory_space<hbm>> -> memref<10000xi32, #tpu.memory_space<hbm>>
      %dma_start3A_50 = tpu.memref_slice %arg4[%mul3A_6] : memref<320000xi32, #tpu.memory_space<hbm>> -> memref<10000xi32, #tpu.memory_space<hbm>>
      tpu.enqueue_dma source(%dma_start3A_50 : memref<10000xi32, #tpu.memory_space<hbm>>) target(%arg7 : memref<10000xi32, #tpu.memory_space<vmem>>) target_semaphore(%run_scoped3A : memref<!tpu.dma_semaphore, #tpu.memory_space<semaphore_mem>>)
      %dma_wait3A_51 = tpu.memref_slice %arg4[%mul3A_6] : memref<320000xi32, #tpu.memory_space<hbm>> -> memref<10000xi32, #tpu.memory_space<hbm>>
      %dma_wait3A_52 = tpu.memref_slice %arg4[%mul3A_6] : memref<320000xi32, #tpu.memory_space<hbm>> -> memref<10000xi32, #tpu.memory_space<hbm>>
      tpu.wait_dma2 semaphore(%run_scoped3A : memref<!tpu.dma_semaphore, #tpu.memory_space<semaphore_mem>>) src(%dma_wait3A_52 : memref<10000xi32, #tpu.memory_space<hbm>>) dst(%arg7 : memref<10000xi32, #tpu.memory_space<vmem>>)
      tpu.yield
    }) : () -> ()
    %barrier3A = arith.constant 0 : index
    tpu.barrier barrier_id(%barrier3A)
    %mul3A_7 = arith.constant 10000 : i32
    %mul3A_8 = arith.muli %add3A, %mul3A_7 : i32
    %add3A_9 = arith.constant 0 : i32
    %add3A_10 = arith.addi %mul3A_8, %add3A_9 : i32
    %dma_start3A = tpu.memref_slice %arg3[%add3A_10] : memref<320000xi32, #tpu.memory_space<hbm>> -> memref<80xi32, #tpu.memory_space<hbm>>
    %dma_start3A_11 = tpu.memref_slice %arg3[%add3A_10] : memref<320000xi32, #tpu.memory_space<hbm>> -> memref<80xi32, #tpu.memory_space<hbm>>
    tpu.enqueue_dma source(%dma_start3A_11 : memref<80xi32, #tpu.memory_space<hbm>>) target(%arg8 : memref<80xi32, #tpu.memory_space<vmem>>) target_semaphore(%arg21 : memref<!tpu.dma_semaphore, #tpu.memory_space<semaphore_mem>>)
    %add3A_12 = arith.constant 80 : i32
    %add3A_13 = arith.addi %mul3A_8, %add3A_12 : i32
    %dma_start3A_14 = tpu.memref_slice %arg3[%add3A_13] : memref<320000xi32, #tpu.memory_space<hbm>> -> memref<80xi32, #tpu.memory_space<hbm>>
    %dma_start3A_15 = tpu.memref_slice %arg3[%add3A_13] : memref<320000xi32, #tpu.memory_space<hbm>> -> memref<80xi32, #tpu.memory_space<hbm>>
    tpu.enqueue_dma source(%dma_start3A_15 : memref<80xi32, #tpu.memory_space<hbm>>) target(%arg9 : memref<80xi32, #tpu.memory_space<vmem>>) target_semaphore(%arg22 : memref<!tpu.dma_semaphore, #tpu.memory_space<semaphore_mem>>)
    %dma_start3A_16 = arith.constant 0 : i32
    %dma_start3A_17 = tpu.memref_slice %arg7[%dma_start3A_16] : memref<10000xi32, #tpu.memory_space<vmem>> -> memref<80xi32, #tpu.memory_space<vmem>>
    %dma_start3A_18 = arith.constant 0 : i32
    %dma_start3A_19 = arith.constant 0 : i32
    %dma_start3A_20 = tpu.memref_slice %arg2[%dma_start3A_18, %dma_start3A_19] : memref<10000x128xf32, #tpu.memory_space<hbm>> -> memref<10000x128xf32, #tpu.memory_space<hbm>>
    tpu.enqueue_indirect_dma source(%dma_start3A_20 : memref<10000x128xf32, #tpu.memory_space<hbm>>) target(%arg11 : memref<80x128xf32, #tpu.memory_space<vmem>>) offsets(%dma_start3A_17 : memref<80xi32, #tpu.memory_space<vmem>>) semaphore(%arg15 : memref<!tpu.dma_semaphore, #tpu.memory_space<semaphore_mem>>)
    %dma_start3A_21 = arith.constant 80 : i32
    %dma_start3A_22 = tpu.memref_slice %arg7[%dma_start3A_21] : memref<10000xi32, #tpu.memory_space<vmem>> -> memref<80xi32, #tpu.memory_space<vmem>>
    %dma_start3A_23 = arith.constant 0 : i32
    %dma_start3A_24 = arith.constant 0 : i32
    %dma_start3A_25 = tpu.memref_slice %arg2[%dma_start3A_23, %dma_start3A_24] : memref<10000x128xf32, #tpu.memory_space<hbm>> -> memref<10000x128xf32, #tpu.memory_space<hbm>>
    tpu.enqueue_indirect_dma source(%dma_start3A_25 : memref<10000x128xf32, #tpu.memory_space<hbm>>) target(%arg12 : memref<80x128xf32, #tpu.memory_space<vmem>>) offsets(%dma_start3A_22 : memref<80xi32, #tpu.memory_space<vmem>>) semaphore(%arg16 : memref<!tpu.dma_semaphore, #tpu.memory_space<semaphore_mem>>)
    %scan3A = arith.constant 0 : i32
    %scan3A_26 = arith.constant 0 : i32
    %scan3A_27 = arith.constant 42 : i32
    %scan3A_28 = arith.addi %scan3A_26, %scan3A_27 : i32
    %scan3A_29 = arith.constant 1 : i32
    scf.for %scan3A_49 = %scan3A_26 to %scan3A_28 step %scan3A_29  : i32 {
      %mul3A_50 = arith.constant 3 : i32
      %mul3A_51 = arith.muli %scan3A_49, %mul3A_50 : i32
      %add3A_52 = arith.constant 0 : i32
      %add3A_53 = arith.addi %mul3A_51, %add3A_52 : i32
      %ge3A = arith.constant 1 : i32
      %ge3A_54 = arith.cmpi sge, %add3A_53, %ge3A : i32
      %le3A = arith.constant 125 : i32
      %le3A_55 = arith.cmpi sle, %add3A_53, %le3A : i32
      %and3A = arith.andi %ge3A_54, %le3A_55 : i1
      %convert_element_type3A = arith.extui %and3A : i1 to i32
      %cond3A = arith.constant 0 : i32
      %cond3A_56 = arith.cmpi ne, %convert_element_type3A, %cond3A : i32
      scf.if %cond3A_56 {
        %dma_wait3A_168 = arith.constant 0 : i32
        %dma_wait3A_169 = arith.constant 0 : i32
        %dma_wait3A_170 = tpu.memref_slice %arg14[%dma_wait3A_168, %dma_wait3A_169] : memref<10240x128xf32, #tpu.memory_space<vmem_shared>> -> memref<10240x128xf32, #tpu.memory_space<vmem_shared>>
        tpu.wait_indirect_dma semaphore(%arg20 : memref<!tpu.dma_semaphore, #tpu.memory_space<semaphore_mem>>) src(%arg13 : memref<80x128xf32, #tpu.memory_space<vmem>>) dst(%dma_wait3A_170 : memref<10240x128xf32, #tpu.memory_space<vmem_shared>>)
      } else {
      }
      %add3A_57 = arith.constant 2 : i32
      %add3A_58 = arith.addi %add3A_53, %add3A_57 : i32
      %min3A = arith.constant 124 : i32
      %min3A_59 = arith.minsi %add3A_58, %min3A : i32
      %mul3A_60 = arith.constant 80 : i32
      %mul3A_61 = arith.muli %min3A_59, %mul3A_60 : i32
      %add3A_62 = arith.addi %mul3A_8, %mul3A_61 : i32
      %dma_start3A_63 = tpu.memref_slice %arg3[%add3A_62] : memref<320000xi32, #tpu.memory_space<hbm>> -> memref<80xi32, #tpu.memory_space<hbm>>
      %dma_start3A_64 = tpu.memref_slice %arg3[%add3A_62] : memref<320000xi32, #tpu.memory_space<hbm>> -> memref<80xi32, #tpu.memory_space<hbm>>
      tpu.enqueue_dma source(%dma_start3A_64 : memref<80xi32, #tpu.memory_space<hbm>>) target(%arg10 : memref<80xi32, #tpu.memory_space<vmem>>) target_semaphore(%arg23 : memref<!tpu.dma_semaphore, #tpu.memory_space<semaphore_mem>>)
      %add3A_65 = arith.constant 2 : i32
      %add3A_66 = arith.addi %add3A_53, %add3A_65 : i32
      %min3A_67 = arith.constant 124 : i32
      %min3A_68 = arith.minsi %add3A_66, %min3A_67 : i32
      %mul3A_69 = arith.constant 80 : i32
      %mul3A_70 = arith.muli %min3A_68, %mul3A_69 : i32
      %dma_start3A_71 = tpu.memref_slice %arg7[%mul3A_70] : memref<10000xi32, #tpu.memory_space<vmem>> -> memref<80xi32, #tpu.memory_space<vmem>>
      %dma_start3A_72 = arith.constant 0 : i32
      %dma_start3A_73 = arith.constant 0 : i32
      %dma_start3A_74 = tpu.memref_slice %arg2[%dma_start3A_72, %dma_start3A_73] : memref<10000x128xf32, #tpu.memory_space<hbm>> -> memref<10000x128xf32, #tpu.memory_space<hbm>>
      tpu.enqueue_indirect_dma source(%dma_start3A_74 : memref<10000x128xf32, #tpu.memory_space<hbm>>) target(%arg13 : memref<80x128xf32, #tpu.memory_space<vmem>>) offsets(%dma_start3A_71 : memref<80xi32, #tpu.memory_space<vmem>>) semaphore(%arg17 : memref<!tpu.dma_semaphore, #tpu.memory_space<semaphore_mem>>)
      %dma_wait3A_75 = arith.constant 0 : i32
      %dma_wait3A_76 = tpu.memref_slice %arg7[%dma_wait3A_75] : memref<10000xi32, #tpu.memory_space<vmem>> -> memref<80xi32, #tpu.memory_space<vmem>>
      %dma_wait3A_77 = arith.constant 0 : i32
      %dma_wait3A_78 = arith.constant 0 : i32
      %dma_wait3A_79 = tpu.memref_slice %arg2[%dma_wait3A_77, %dma_wait3A_78] : memref<10000x128xf32, #tpu.memory_space<hbm>> -> memref<10000x128xf32, #tpu.memory_space<hbm>>
      tpu.wait_indirect_dma semaphore(%arg15 : memref<!tpu.dma_semaphore, #tpu.memory_space<semaphore_mem>>) src(%dma_wait3A_79 : memref<10000x128xf32, #tpu.memory_space<hbm>>) dst(%arg11 : memref<80x128xf32, #tpu.memory_space<vmem>>)
      %dma_wait3A_80 = tpu.memref_slice %arg3[%mul3A_8] : memref<320000xi32, #tpu.memory_space<hbm>> -> memref<80xi32, #tpu.memory_space<hbm>>
      %dma_wait3A_81 = tpu.memref_slice %arg3[%mul3A_8] : memref<320000xi32, #tpu.memory_space<hbm>> -> memref<80xi32, #tpu.memory_space<hbm>>
      tpu.wait_dma2 semaphore(%arg21 : memref<!tpu.dma_semaphore, #tpu.memory_space<semaphore_mem>>) src(%dma_wait3A_81 : memref<80xi32, #tpu.memory_space<hbm>>) dst(%arg8 : memref<80xi32, #tpu.memory_space<vmem>>)
      %lt3A = arith.constant 125 : i32
      %lt3A_82 = arith.cmpi slt, %add3A_53, %lt3A : i32
      %convert_element_type3A_83 = arith.extui %lt3A_82 : i1 to i32
      %cond3A_84 = arith.constant 0 : i32
      %cond3A_85 = arith.cmpi ne, %convert_element_type3A_83, %cond3A_84 : i32
      scf.if %cond3A_85 {
        %dma_start3A_168 = arith.constant 0 : i32
        %dma_start3A_169 = arith.constant 0 : i32
        %dma_start3A_170 = tpu.memref_slice %arg14[%dma_start3A_168, %dma_start3A_169] : memref<10240x128xf32, #tpu.memory_space<vmem_shared>> -> memref<10240x128xf32, #tpu.memory_space<vmem_shared>>
        tpu.enqueue_indirect_dma source(%arg11 : memref<80x128xf32, #tpu.memory_space<vmem>>) target(%dma_start3A_170 : memref<10240x128xf32, #tpu.memory_space<vmem_shared>>) offsets(%arg8 : memref<80xi32, #tpu.memory_space<vmem>>) semaphore(%arg18 : memref<!tpu.dma_semaphore, #tpu.memory_space<semaphore_mem>>) {add = true}
      } else {
      }
      %add3A_86 = arith.constant 1 : i32
      %add3A_87 = arith.addi %mul3A_51, %add3A_86 : i32
      %ge3A_88 = arith.constant 1 : i32
      %ge3A_89 = arith.cmpi sge, %add3A_87, %ge3A_88 : i32
      %le3A_90 = arith.constant 125 : i32
      %le3A_91 = arith.cmpi sle, %add3A_87, %le3A_90 : i32
      %and3A_92 = arith.andi %ge3A_89, %le3A_91 : i1
      %convert_element_type3A_93 = arith.extui %and3A_92 : i1 to i32
      %cond3A_94 = arith.constant 0 : i32
      %cond3A_95 = arith.cmpi ne, %convert_element_type3A_93, %cond3A_94 : i32
      scf.if %cond3A_95 {
        %dma_wait3A_168 = arith.constant 0 : i32
        %dma_wait3A_169 = arith.constant 0 : i32
        %dma_wait3A_170 = tpu.memref_slice %arg14[%dma_wait3A_168, %dma_wait3A_169] : memref<10240x128xf32, #tpu.memory_space<vmem_shared>> -> memref<10240x128xf32, #tpu.memory_space<vmem_shared>>
        tpu.wait_indirect_dma semaphore(%arg18 : memref<!tpu.dma_semaphore, #tpu.memory_space<semaphore_mem>>) src(%arg11 : memref<80x128xf32, #tpu.memory_space<vmem>>) dst(%dma_wait3A_170 : memref<10240x128xf32, #tpu.memory_space<vmem_shared>>)
      } else {
      }
      %add3A_96 = arith.constant 2 : i32
      %add3A_97 = arith.addi %add3A_87, %add3A_96 : i32
      %min3A_98 = arith.constant 124 : i32
      %min3A_99 = arith.minsi %add3A_97, %min3A_98 : i32
      %mul3A_100 = arith.constant 80 : i32
      %mul3A_101 = arith.muli %min3A_99, %mul3A_100 : i32
      %add3A_102 = arith.addi %mul3A_8, %mul3A_101 : i32
      %dma_start3A_103 = tpu.memref_slice %arg3[%add3A_102] : memref<320000xi32, #tpu.memory_space<hbm>> -> memref<80xi32, #tpu.memory_space<hbm>>
      %dma_start3A_104 = tpu.memref_slice %arg3[%add3A_102] : memref<320000xi32, #tpu.memory_space<hbm>> -> memref<80xi32, #tpu.memory_space<hbm>>
      tpu.enqueue_dma source(%dma_start3A_104 : memref<80xi32, #tpu.memory_space<hbm>>) target(%arg8 : memref<80xi32, #tpu.memory_space<vmem>>) target_semaphore(%arg21 : memref<!tpu.dma_semaphore, #tpu.memory_space<semaphore_mem>>)
      %add3A_105 = arith.constant 2 : i32
      %add3A_106 = arith.addi %add3A_87, %add3A_105 : i32
      %min3A_107 = arith.constant 124 : i32
      %min3A_108 = arith.minsi %add3A_106, %min3A_107 : i32
      %mul3A_109 = arith.constant 80 : i32
      %mul3A_110 = arith.muli %min3A_108, %mul3A_109 : i32
      %dma_start3A_111 = tpu.memref_slice %arg7[%mul3A_110] : memref<10000xi32, #tpu.memory_space<vmem>> -> memref<80xi32, #tpu.memory_space<vmem>>
      %dma_start3A_112 = arith.constant 0 : i32
      %dma_start3A_113 = arith.constant 0 : i32
      %dma_start3A_114 = tpu.memref_slice %arg2[%dma_start3A_112, %dma_start3A_113] : memref<10000x128xf32, #tpu.memory_space<hbm>> -> memref<10000x128xf32, #tpu.memory_space<hbm>>
      tpu.enqueue_indirect_dma source(%dma_start3A_114 : memref<10000x128xf32, #tpu.memory_space<hbm>>) target(%arg11 : memref<80x128xf32, #tpu.memory_space<vmem>>) offsets(%dma_start3A_111 : memref<80xi32, #tpu.memory_space<vmem>>) semaphore(%arg15 : memref<!tpu.dma_semaphore, #tpu.memory_space<semaphore_mem>>)
      %dma_wait3A_115 = arith.constant 0 : i32
      %dma_wait3A_116 = tpu.memref_slice %arg7[%dma_wait3A_115] : memref<10000xi32, #tpu.memory_space<vmem>> -> memref<80xi32, #tpu.memory_space<vmem>>
      %dma_wait3A_117 = arith.constant 0 : i32
      %dma_wait3A_118 = arith.constant 0 : i32
      %dma_wait3A_119 = tpu.memref_slice %arg2[%dma_wait3A_117, %dma_wait3A_118] : memref<10000x128xf32, #tpu.memory_space<hbm>> -> memref<10000x128xf32, #tpu.memory_space<hbm>>
      tpu.wait_indirect_dma semaphore(%arg16 : memref<!tpu.dma_semaphore, #tpu.memory_space<semaphore_mem>>) src(%dma_wait3A_119 : memref<10000x128xf32, #tpu.memory_space<hbm>>) dst(%arg12 : memref<80x128xf32, #tpu.memory_space<vmem>>)
      %dma_wait3A_120 = tpu.memref_slice %arg3[%mul3A_8] : memref<320000xi32, #tpu.memory_space<hbm>> -> memref<80xi32, #tpu.memory_space<hbm>>
      %dma_wait3A_121 = tpu.memref_slice %arg3[%mul3A_8] : memref<320000xi32, #tpu.memory_space<hbm>> -> memref<80xi32, #tpu.memory_space<hbm>>
      tpu.wait_dma2 semaphore(%arg22 : memref<!tpu.dma_semaphore, #tpu.memory_space<semaphore_mem>>) src(%dma_wait3A_121 : memref<80xi32, #tpu.memory_space<hbm>>) dst(%arg9 : memref<80xi32, #tpu.memory_space<vmem>>)
      %lt3A_122 = arith.constant 125 : i32
      %lt3A_123 = arith.cmpi slt, %add3A_87, %lt3A_122 : i32
      %convert_element_type3A_124 = arith.extui %lt3A_123 : i1 to i32
      %cond3A_125 = arith.constant 0 : i32
      %cond3A_126 = arith.cmpi ne, %convert_element_type3A_124, %cond3A_125 : i32
      scf.if %cond3A_126 {
        %dma_start3A_168 = arith.constant 0 : i32
        %dma_start3A_169 = arith.constant 0 : i32
        %dma_start3A_170 = tpu.memref_slice %arg14[%dma_start3A_168, %dma_start3A_169] : memref<10240x128xf32, #tpu.memory_space<vmem_shared>> -> memref<10240x128xf32, #tpu.memory_space<vmem_shared>>
        tpu.enqueue_indirect_dma source(%arg12 : memref<80x128xf32, #tpu.memory_space<vmem>>) target(%dma_start3A_170 : memref<10240x128xf32, #tpu.memory_space<vmem_shared>>) offsets(%arg9 : memref<80xi32, #tpu.memory_space<vmem>>) semaphore(%arg19 : memref<!tpu.dma_semaphore, #tpu.memory_space<semaphore_mem>>) {add = true}
      } else {
      }
      %add3A_127 = arith.constant 2 : i32
      %add3A_128 = arith.addi %mul3A_51, %add3A_127 : i32
      %ge3A_129 = arith.constant 1 : i32
      %ge3A_130 = arith.cmpi sge, %add3A_128, %ge3A_129 : i32
      %le3A_131 = arith.constant 125 : i32
      %le3A_132 = arith.cmpi sle, %add3A_128, %le3A_131 : i32
      %and3A_133 = arith.andi %ge3A_130, %le3A_132 : i1
      %convert_element_type3A_134 = arith.extui %and3A_133 : i1 to i32
      %cond3A_135 = arith.constant 0 : i32
      %cond3A_136 = arith.cmpi ne, %convert_element_type3A_134, %cond3A_135 : i32
      scf.if %cond3A_136 {
        %dma_wait3A_168 = arith.constant 0 : i32
        %dma_wait3A_169 = arith.constant 0 : i32
        %dma_wait3A_170 = tpu.memref_slice %arg14[%dma_wait3A_168, %dma_wait3A_169] : memref<10240x128xf32, #tpu.memory_space<vmem_shared>> -> memref<10240x128xf32, #tpu.memory_space<vmem_shared>>
        tpu.wait_indirect_dma semaphore(%arg19 : memref<!tpu.dma_semaphore, #tpu.memory_space<semaphore_mem>>) src(%arg12 : memref<80x128xf32, #tpu.memory_space<vmem>>) dst(%dma_wait3A_170 : memref<10240x128xf32, #tpu.memory_space<vmem_shared>>)
      } else {
      }
      %add3A_137 = arith.constant 2 : i32
      %add3A_138 = arith.addi %add3A_128, %add3A_137 : i32
      %min3A_139 = arith.constant 124 : i32
      %min3A_140 = arith.minsi %add3A_138, %min3A_139 : i32
      %mul3A_141 = arith.constant 80 : i32
      %mul3A_142 = arith.muli %min3A_140, %mul3A_141 : i32
      %add3A_143 = arith.addi %mul3A_8, %mul3A_142 : i32
      %dma_start3A_144 = tpu.memref_slice %arg3[%add3A_143] : memref<320000xi32, #tpu.memory_space<hbm>> -> memref<80xi32, #tpu.memory_space<hbm>>
      %dma_start3A_145 = tpu.memref_slice %arg3[%add3A_143] : memref<320000xi32, #tpu.memory_space<hbm>> -> memref<80xi32, #tpu.memory_space<hbm>>
      tpu.enqueue_dma source(%dma_start3A_145 : memref<80xi32, #tpu.memory_space<hbm>>) target(%arg9 : memref<80xi32, #tpu.memory_space<vmem>>) target_semaphore(%arg22 : memref<!tpu.dma_semaphore, #tpu.memory_space<semaphore_mem>>)
      %add3A_146 = arith.constant 2 : i32
      %add3A_147 = arith.addi %add3A_128, %add3A_146 : i32
      %min3A_148 = arith.constant 124 : i32
      %min3A_149 = arith.minsi %add3A_147, %min3A_148 : i32
      %mul3A_150 = arith.constant 80 : i32
      %mul3A_151 = arith.muli %min3A_149, %mul3A_150 : i32
      %dma_start3A_152 = tpu.memref_slice %arg7[%mul3A_151] : memref<10000xi32, #tpu.memory_space<vmem>> -> memref<80xi32, #tpu.memory_space<vmem>>
      %dma_start3A_153 = arith.constant 0 : i32
      %dma_start3A_154 = arith.constant 0 : i32
      %dma_start3A_155 = tpu.memref_slice %arg2[%dma_start3A_153, %dma_start3A_154] : memref<10000x128xf32, #tpu.memory_space<hbm>> -> memref<10000x128xf32, #tpu.memory_space<hbm>>
      tpu.enqueue_indirect_dma source(%dma_start3A_155 : memref<10000x128xf32, #tpu.memory_space<hbm>>) target(%arg12 : memref<80x128xf32, #tpu.memory_space<vmem>>) offsets(%dma_start3A_152 : memref<80xi32, #tpu.memory_space<vmem>>) semaphore(%arg16 : memref<!tpu.dma_semaphore, #tpu.memory_space<semaphore_mem>>)
      %dma_wait3A_156 = arith.constant 0 : i32
      %dma_wait3A_157 = tpu.memref_slice %arg7[%dma_wait3A_156] : memref<10000xi32, #tpu.memory_space<vmem>> -> memref<80xi32, #tpu.memory_space<vmem>>
      %dma_wait3A_158 = arith.constant 0 : i32
      %dma_wait3A_159 = arith.constant 0 : i32
      %dma_wait3A_160 = tpu.memref_slice %arg2[%dma_wait3A_158, %dma_wait3A_159] : memref<10000x128xf32, #tpu.memory_space<hbm>> -> memref<10000x128xf32, #tpu.memory_space<hbm>>
      tpu.wait_indirect_dma semaphore(%arg17 : memref<!tpu.dma_semaphore, #tpu.memory_space<semaphore_mem>>) src(%dma_wait3A_160 : memref<10000x128xf32, #tpu.memory_space<hbm>>) dst(%arg13 : memref<80x128xf32, #tpu.memory_space<vmem>>)
      %dma_wait3A_161 = tpu.memref_slice %arg3[%mul3A_8] : memref<320000xi32, #tpu.memory_space<hbm>> -> memref<80xi32, #tpu.memory_space<hbm>>
      %dma_wait3A_162 = tpu.memref_slice %arg3[%mul3A_8] : memref<320000xi32, #tpu.memory_space<hbm>> -> memref<80xi32, #tpu.memory_space<hbm>>
      tpu.wait_dma2 semaphore(%arg23 : memref<!tpu.dma_semaphore, #tpu.memory_space<semaphore_mem>>) src(%dma_wait3A_162 : memref<80xi32, #tpu.memory_space<hbm>>) dst(%arg10 : memref<80xi32, #tpu.memory_space<vmem>>)
      %lt3A_163 = arith.constant 125 : i32
      %lt3A_164 = arith.cmpi slt, %add3A_128, %lt3A_163 : i32
      %convert_element_type3A_165 = arith.extui %lt3A_164 : i1 to i32
      %cond3A_166 = arith.constant 0 : i32
      %cond3A_167 = arith.cmpi ne, %convert_element_type3A_165, %cond3A_166 : i32
      scf.if %cond3A_167 {
        %dma_start3A_168 = arith.constant 0 : i32
        %dma_start3A_169 = arith.constant 0 : i32
        %dma_start3A_170 = tpu.memref_slice %arg14[%dma_start3A_168, %dma_start3A_169] : memref<10240x128xf32, #tpu.memory_space<vmem_shared>> -> memref<10240x128xf32, #tpu.memory_space<vmem_shared>>
        tpu.enqueue_indirect_dma source(%arg13 : memref<80x128xf32, #tpu.memory_space<vmem>>) target(%dma_start3A_170 : memref<10240x128xf32, #tpu.memory_space<vmem_shared>>) offsets(%arg10 : memref<80xi32, #tpu.memory_space<vmem>>) semaphore(%arg20 : memref<!tpu.dma_semaphore, #tpu.memory_space<semaphore_mem>>) {add = true}
      } else {
      }
    }
    %scan3A_30 = arith.constant 42 : i32
    %dma_wait3A = tpu.memref_slice %arg3[%mul3A_8] : memref<320000xi32, #tpu.memory_space<hbm>> -> memref<80xi32, #tpu.memory_space<hbm>>
    %dma_wait3A_31 = tpu.memref_slice %arg3[%mul3A_8] : memref<320000xi32, #tpu.memory_space<hbm>> -> memref<80xi32, #tpu.memory_space<hbm>>
    tpu.wait_dma2 semaphore(%arg21 : memref<!tpu.dma_semaphore, #tpu.memory_space<semaphore_mem>>) src(%dma_wait3A_31 : memref<80xi32, #tpu.memory_space<hbm>>) dst(%arg8 : memref<80xi32, #tpu.memory_space<vmem>>)
    %dma_wait3A_32 = tpu.memref_slice %arg3[%mul3A_8] : memref<320000xi32, #tpu.memory_space<hbm>> -> memref<80xi32, #tpu.memory_space<hbm>>
    %dma_wait3A_33 = tpu.memref_slice %arg3[%mul3A_8] : memref<320000xi32, #tpu.memory_space<hbm>> -> memref<80xi32, #tpu.memory_space<hbm>>
    tpu.wait_dma2 semaphore(%arg22 : memref<!tpu.dma_semaphore, #tpu.memory_space<semaphore_mem>>) src(%dma_wait3A_33 : memref<80xi32, #tpu.memory_space<hbm>>) dst(%arg9 : memref<80xi32, #tpu.memory_space<vmem>>)
    %dma_wait3A_34 = arith.constant 0 : i32
    %dma_wait3A_35 = tpu.memref_slice %arg7[%dma_wait3A_34] : memref<10000xi32, #tpu.memory_space<vmem>> -> memref<80xi32, #tpu.memory_space<vmem>>
    %dma_wait3A_36 = arith.constant 0 : i32
    %dma_wait3A_37 = arith.constant 0 : i32
    %dma_wait3A_38 = tpu.memref_slice %arg2[%dma_wait3A_36, %dma_wait3A_37] : memref<10000x128xf32, #tpu.memory_space<hbm>> -> memref<10000x128xf32, #tpu.memory_space<hbm>>
    tpu.wait_indirect_dma semaphore(%arg15 : memref<!tpu.dma_semaphore, #tpu.memory_space<semaphore_mem>>) src(%dma_wait3A_38 : memref<10000x128xf32, #tpu.memory_space<hbm>>) dst(%arg11 : memref<80x128xf32, #tpu.memory_space<vmem>>)
    %dma_wait3A_39 = arith.constant 0 : i32
    %dma_wait3A_40 = tpu.memref_slice %arg7[%dma_wait3A_39] : memref<10000xi32, #tpu.memory_space<vmem>> -> memref<80xi32, #tpu.memory_space<vmem>>
    %dma_wait3A_41 = arith.constant 0 : i32
    %dma_wait3A_42 = arith.constant 0 : i32
    %dma_wait3A_43 = tpu.memref_slice %arg2[%dma_wait3A_41, %dma_wait3A_42] : memref<10000x128xf32, #tpu.memory_space<hbm>> -> memref<10000x128xf32, #tpu.memory_space<hbm>>
    tpu.wait_indirect_dma semaphore(%arg16 : memref<!tpu.dma_semaphore, #tpu.memory_space<semaphore_mem>>) src(%dma_wait3A_43 : memref<10000x128xf32, #tpu.memory_space<hbm>>) dst(%arg12 : memref<80x128xf32, #tpu.memory_space<vmem>>)
    %barrier3A_44 = arith.constant 0 : index
    tpu.barrier barrier_id(%barrier3A_44)
    %mul3A_45 = arith.constant 640 : i32
    %mul3A_46 = arith.muli %arg1, %mul3A_45 : i32
    %mul3A_47 = arith.constant 640 : i32
    %mul3A_48 = arith.muli %arg1, %mul3A_47 : i32
    "tpu.region"() ({
      %run_scoped3A = tpu.sem_alloc : memref<!tpu.dma_semaphore, #tpu.memory_space<semaphore_mem>>
      %dma_start3A_49 = arith.constant 0 : i32
      %dma_start3A_50 = tpu.memref_slice %arg6[%arg0, %mul3A_48, %dma_start3A_49] : memref<2x10240x128xf32, #tpu.memory_space<hbm>> -> memref<1x640x128xf32, #tpu.memory_space<hbm>>
      %dma_start3A_51 = tpu.memref_squeeze %dma_start3A_50 : memref<1x640x128xf32, #tpu.memory_space<hbm>> -> memref<640x128xf32, #tpu.memory_space<hbm>>
      %dma_start3A_52 = arith.constant 0 : i32
      %dma_start3A_53 = tpu.memref_slice %arg14[%mul3A_46, %dma_start3A_52] : memref<10240x128xf32, #tpu.memory_space<vmem_shared>> -> memref<640x128xf32, #tpu.memory_space<vmem_shared>>
      tpu.enqueue_dma source(%dma_start3A_53 : memref<640x128xf32, #tpu.memory_space<vmem_shared>>) target(%dma_start3A_51 : memref<640x128xf32, #tpu.memory_space<hbm>>) target_semaphore(%run_scoped3A : memref<!tpu.dma_semaphore, #tpu.memory_space<semaphore_mem>>)
      %dma_wait3A_54 = arith.constant 0 : i32
      %dma_wait3A_55 = tpu.memref_slice %arg6[%arg0, %mul3A_48, %dma_wait3A_54] : memref<2x10240x128xf32, #tpu.memory_space<hbm>> -> memref<1x640x128xf32, #tpu.memory_space<hbm>>
      %dma_wait3A_56 = tpu.memref_squeeze %dma_wait3A_55 : memref<1x640x128xf32, #tpu.memory_space<hbm>> -> memref<640x128xf32, #tpu.memory_space<hbm>>
      %dma_wait3A_57 = arith.constant 0 : i32
      %dma_wait3A_58 = tpu.memref_slice %arg14[%mul3A_46, %dma_wait3A_57] : memref<10240x128xf32, #tpu.memory_space<vmem_shared>> -> memref<640x128xf32, #tpu.memory_space<vmem_shared>>
      tpu.wait_dma2 semaphore(%run_scoped3A : memref<!tpu.dma_semaphore, #tpu.memory_space<semaphore_mem>>) src(%dma_wait3A_58 : memref<640x128xf32, #tpu.memory_space<vmem_shared>>) dst(%dma_wait3A_56 : memref<640x128xf32, #tpu.memory_space<hbm>>)
      tpu.yield
    }) : () -> ()
    return
  }
}

#map = affine_map<(d0, d1) -> (0, 0)>
#map1 = affine_map<(d0, d1) -> (0)>
#map2 = affine_map<(d0, d1) -> (0, 0, 0)>
module attributes {stable_mosaic.version = 14 : i64} {
  func.func @_agg_body(%arg0: i32, %arg1: i32, %arg2: memref<10000x128xf32, #tpu.memory_space<hbm>>, %arg3: memref<320000xi32, #tpu.memory_space<hbm>>, %arg4: memref<320000xi32, #tpu.memory_space<hbm>>, %arg5: memref<10240x128xf32, #tpu.memory_space<hbm>>, %arg6: memref<2x10240x128xf32, #tpu.memory_space<hbm>>, %arg7: memref<10000xi32, #tpu.memory_space<vmem>>, %arg8: memref<80xi32, #tpu.memory_space<vmem>>, %arg9: memref<80xi32, #tpu.memory_space<vmem>>, %arg10: memref<80xi32, #tpu.memory_space<vmem>>, %arg11: memref<80x128xf32, #tpu.memory_space<vmem>>, %arg12: memref<80x128xf32, #tpu.memory_space<vmem>>, %arg13: memref<80x128xf32, #tpu.memory_space<vmem>>, %arg14: memref<10240x128xf32, #tpu.memory_space<vmem_shared>>, %arg15: memref<!tpu.dma_semaphore, #tpu.memory_space<semaphore_mem>>, %arg16: memref<!tpu.dma_semaphore, #tpu.memory_space<semaphore_mem>>, %arg17: memref<!tpu.dma_semaphore, #tpu.memory_space<semaphore_mem>>, %arg18: memref<!tpu.dma_semaphore, #tpu.memory_space<semaphore_mem>>, %arg19: memref<!tpu.dma_semaphore, #tpu.memory_space<semaphore_mem>>, %arg20: memref<!tpu.dma_semaphore, #tpu.memory_space<semaphore_mem>>, %arg21: memref<!tpu.dma_semaphore, #tpu.memory_space<semaphore_mem>>, %arg22: memref<!tpu.dma_semaphore, #tpu.memory_space<semaphore_mem>>, %arg23: memref<!tpu.dma_semaphore, #tpu.memory_space<semaphore_mem>>) attributes {dimension_semantics = [#tpu.dimension_semantics<core_parallel>, #tpu.dimension_semantics<subcore_parallel>], iteration_bounds = array<i64: 2, 16>, scalar_prefetch = 0 : i64, scratch_operands = 17 : i64, tpu.core_type = #tpu.core_type<sc_vector_subcore>, window_params = [{transform_indices = #map}, {transform_indices = #map1}, {transform_indices = #map1}, {transform_indices = #map}, {transform_indices = #map2}]} {
    %mul3A = arith.constant 16 : i32
    %mul3A_0 = arith.muli %arg0, %mul3A : i32
    %add3A = arith.addi %mul3A_0, %arg1 : i32
    %mul3A_1 = arith.constant 640 : i32
    %mul3A_2 = arith.muli %arg1, %mul3A_1 : i32
    %mul3A_3 = arith.constant 640 : i32
    %mul3A_4 = arith.muli %arg1, %mul3A_3 : i32
    "tpu.region"() ({
      %run_scoped3A = tpu.sem_alloc : memref<!tpu.dma_semaphore, #tpu.memory_space<semaphore_mem>>
      %dma_start3A_49 = arith.constant 0 : i32
      %dma_start3A_50 = tpu.memref_slice %arg14[%mul3A_4, %dma_start3A_49] : memref<10240x128xf32, #tpu.memory_space<vmem_shared>> -> memref<640x128xf32, #tpu.memory_space<vmem_shared>>
      %dma_start3A_51 = arith.constant 0 : i32
      %dma_start3A_52 = tpu.memref_slice %arg5[%mul3A_2, %dma_start3A_51] : memref<10240x128xf32, #tpu.memory_space<hbm>> -> memref<640x128xf32, #tpu.memory_space<hbm>>
      tpu.enqueue_dma source(%dma_start3A_52 : memref<640x128xf32, #tpu.memory_space<hbm>>) target(%dma_start3A_50 : memref<640x128xf32, #tpu.memory_space<vmem_shared>>) target_semaphore(%run_scoped3A : memref<!tpu.dma_semaphore, #tpu.memory_space<semaphore_mem>>)
      %dma_wait3A_53 = arith.constant 0 : i32
      %dma_wait3A_54 = tpu.memref_slice %arg14[%mul3A_4, %dma_wait3A_53] : memref<10240x128xf32, #tpu.memory_space<vmem_shared>> -> memref<640x128xf32, #tpu.memory_space<vmem_shared>>
      %dma_wait3A_55 = arith.constant 0 : i32
      %dma_wait3A_56 = tpu.memref_slice %arg5[%mul3A_2, %dma_wait3A_55] : memref<10240x128xf32, #tpu.memory_space<hbm>> -> memref<640x128xf32, #tpu.memory_space<hbm>>
      tpu.wait_dma2 semaphore(%run_scoped3A : memref<!tpu.dma_semaphore, #tpu.memory_space<semaphore_mem>>) src(%dma_wait3A_56 : memref<640x128xf32, #tpu.memory_space<hbm>>) dst(%dma_wait3A_54 : memref<640x128xf32, #tpu.memory_space<vmem_shared>>)
      tpu.yield
    }) : () -> ()
    %mul3A_5 = arith.constant 10000 : i32
    %mul3A_6 = arith.muli %add3A, %mul3A_5 : i32
    "tpu.region"() ({
      %run_scoped3A = tpu.sem_alloc : memref<!tpu.dma_semaphore, #tpu.memory_space<semaphore_mem>>
      %dma_start3A_49 = tpu.memref_slice %arg4[%mul3A_6] : memref<320000xi32, #tpu.memory_space<hbm>> -> memref<10000xi32, #tpu.memory_space<hbm>>
      %dma_start3A_50 = tpu.memref_slice %arg4[%mul3A_6] : memref<320000xi32, #tpu.memory_space<hbm>> -> memref<10000xi32, #tpu.memory_space<hbm>>
      tpu.enqueue_dma source(%dma_start3A_50 : memref<10000xi32, #tpu.memory_space<hbm>>) target(%arg7 : memref<10000xi32, #tpu.memory_space<vmem>>) target_semaphore(%run_scoped3A : memref<!tpu.dma_semaphore, #tpu.memory_space<semaphore_mem>>)
      %dma_wait3A_51 = tpu.memref_slice %arg4[%mul3A_6] : memref<320000xi32, #tpu.memory_space<hbm>> -> memref<10000xi32, #tpu.memory_space<hbm>>
      %dma_wait3A_52 = tpu.memref_slice %arg4[%mul3A_6] : memref<320000xi32, #tpu.memory_space<hbm>> -> memref<10000xi32, #tpu.memory_space<hbm>>
      tpu.wait_dma2 semaphore(%run_scoped3A : memref<!tpu.dma_semaphore, #tpu.memory_space<semaphore_mem>>) src(%dma_wait3A_52 : memref<10000xi32, #tpu.memory_space<hbm>>) dst(%arg7 : memref<10000xi32, #tpu.memory_space<vmem>>)
      tpu.yield
    }) : () -> ()
    %barrier3A = arith.constant 0 : index
    tpu.barrier barrier_id(%barrier3A)
    %mul3A_7 = arith.constant 10000 : i32
    %mul3A_8 = arith.muli %add3A, %mul3A_7 : i32
    %add3A_9 = arith.constant 0 : i32
    %add3A_10 = arith.addi %mul3A_8, %add3A_9 : i32
    %dma_start3A = tpu.memref_slice %arg3[%add3A_10] : memref<320000xi32, #tpu.memory_space<hbm>> -> memref<80xi32, #tpu.memory_space<hbm>>
    %dma_start3A_11 = tpu.memref_slice %arg3[%add3A_10] : memref<320000xi32, #tpu.memory_space<hbm>> -> memref<80xi32, #tpu.memory_space<hbm>>
    tpu.enqueue_dma source(%dma_start3A_11 : memref<80xi32, #tpu.memory_space<hbm>>) target(%arg8 : memref<80xi32, #tpu.memory_space<vmem>>) target_semaphore(%arg21 : memref<!tpu.dma_semaphore, #tpu.memory_space<semaphore_mem>>)
    %add3A_12 = arith.constant 80 : i32
    %add3A_13 = arith.addi %mul3A_8, %add3A_12 : i32
    %dma_start3A_14 = tpu.memref_slice %arg3[%add3A_13] : memref<320000xi32, #tpu.memory_space<hbm>> -> memref<80xi32, #tpu.memory_space<hbm>>
    %dma_start3A_15 = tpu.memref_slice %arg3[%add3A_13] : memref<320000xi32, #tpu.memory_space<hbm>> -> memref<80xi32, #tpu.memory_space<hbm>>
    tpu.enqueue_dma source(%dma_start3A_15 : memref<80xi32, #tpu.memory_space<hbm>>) target(%arg9 : memref<80xi32, #tpu.memory_space<vmem>>) target_semaphore(%arg22 : memref<!tpu.dma_semaphore, #tpu.memory_space<semaphore_mem>>)
    %dma_start3A_16 = arith.constant 0 : i32
    %dma_start3A_17 = tpu.memref_slice %arg7[%dma_start3A_16] : memref<10000xi32, #tpu.memory_space<vmem>> -> memref<80xi32, #tpu.memory_space<vmem>>
    %dma_start3A_18 = arith.constant 0 : i32
    %dma_start3A_19 = arith.constant 0 : i32
    %dma_start3A_20 = tpu.memref_slice %arg2[%dma_start3A_18, %dma_start3A_19] : memref<10000x128xf32, #tpu.memory_space<hbm>> -> memref<10000x128xf32, #tpu.memory_space<hbm>>
    tpu.enqueue_indirect_dma source(%dma_start3A_20 : memref<10000x128xf32, #tpu.memory_space<hbm>>) target(%arg11 : memref<80x128xf32, #tpu.memory_space<vmem>>) offsets(%dma_start3A_17 : memref<80xi32, #tpu.memory_space<vmem>>) semaphore(%arg15 : memref<!tpu.dma_semaphore, #tpu.memory_space<semaphore_mem>>)
    %dma_start3A_21 = arith.constant 80 : i32
    %dma_start3A_22 = tpu.memref_slice %arg7[%dma_start3A_21] : memref<10000xi32, #tpu.memory_space<vmem>> -> memref<80xi32, #tpu.memory_space<vmem>>
    %dma_start3A_23 = arith.constant 0 : i32
    %dma_start3A_24 = arith.constant 0 : i32
    %dma_start3A_25 = tpu.memref_slice %arg2[%dma_start3A_23, %dma_start3A_24] : memref<10000x128xf32, #tpu.memory_space<hbm>> -> memref<10000x128xf32, #tpu.memory_space<hbm>>
    tpu.enqueue_indirect_dma source(%dma_start3A_25 : memref<10000x128xf32, #tpu.memory_space<hbm>>) target(%arg12 : memref<80x128xf32, #tpu.memory_space<vmem>>) offsets(%dma_start3A_22 : memref<80xi32, #tpu.memory_space<vmem>>) semaphore(%arg16 : memref<!tpu.dma_semaphore, #tpu.memory_space<semaphore_mem>>)
    %scan3A = arith.constant 0 : i32
    %scan3A_26 = arith.constant 0 : i32
    %scan3A_27 = arith.constant 42 : i32
    %scan3A_28 = arith.addi %scan3A_26, %scan3A_27 : i32
    %scan3A_29 = arith.constant 1 : i32
    scf.for %scan3A_49 = %scan3A_26 to %scan3A_28 step %scan3A_29  : i32 {
      %mul3A_50 = arith.constant 3 : i32
      %mul3A_51 = arith.muli %scan3A_49, %mul3A_50 : i32
      %add3A_52 = arith.constant 0 : i32
      %add3A_53 = arith.addi %mul3A_51, %add3A_52 : i32
      %ge3A = arith.constant 1 : i32
      %ge3A_54 = arith.cmpi sge, %add3A_53, %ge3A : i32
      %le3A = arith.constant 125 : i32
      %le3A_55 = arith.cmpi sle, %add3A_53, %le3A : i32
      %and3A = arith.andi %ge3A_54, %le3A_55 : i1
      %convert_element_type3A = arith.extui %and3A : i1 to i32
      %cond3A = arith.constant 0 : i32
      %cond3A_56 = arith.cmpi ne, %convert_element_type3A, %cond3A : i32
      scf.if %cond3A_56 {
        %dma_wait3A_168 = arith.constant 0 : i32
        %dma_wait3A_169 = arith.constant 0 : i32
        %dma_wait3A_170 = tpu.memref_slice %arg14[%dma_wait3A_168, %dma_wait3A_169] : memref<10240x128xf32, #tpu.memory_space<vmem_shared>> -> memref<10240x128xf32, #tpu.memory_space<vmem_shared>>
        tpu.wait_indirect_dma semaphore(%arg20 : memref<!tpu.dma_semaphore, #tpu.memory_space<semaphore_mem>>) src(%arg13 : memref<80x128xf32, #tpu.memory_space<vmem>>) dst(%dma_wait3A_170 : memref<10240x128xf32, #tpu.memory_space<vmem_shared>>)
      } else {
      }
      %add3A_57 = arith.constant 2 : i32
      %add3A_58 = arith.addi %add3A_53, %add3A_57 : i32
      %min3A = arith.constant 124 : i32
      %min3A_59 = arith.minsi %add3A_58, %min3A : i32
      %mul3A_60 = arith.constant 80 : i32
      %mul3A_61 = arith.muli %min3A_59, %mul3A_60 : i32
      %add3A_62 = arith.addi %mul3A_8, %mul3A_61 : i32
      %dma_start3A_63 = tpu.memref_slice %arg3[%add3A_62] : memref<320000xi32, #tpu.memory_space<hbm>> -> memref<80xi32, #tpu.memory_space<hbm>>
      %dma_start3A_64 = tpu.memref_slice %arg3[%add3A_62] : memref<320000xi32, #tpu.memory_space<hbm>> -> memref<80xi32, #tpu.memory_space<hbm>>
      tpu.enqueue_dma source(%dma_start3A_64 : memref<80xi32, #tpu.memory_space<hbm>>) target(%arg10 : memref<80xi32, #tpu.memory_space<vmem>>) target_semaphore(%arg23 : memref<!tpu.dma_semaphore, #tpu.memory_space<semaphore_mem>>)
      %add3A_65 = arith.constant 2 : i32
      %add3A_66 = arith.addi %add3A_53, %add3A_65 : i32
      %min3A_67 = arith.constant 124 : i32
      %min3A_68 = arith.minsi %add3A_66, %min3A_67 : i32
      %mul3A_69 = arith.constant 80 : i32
      %mul3A_70 = arith.muli %min3A_68, %mul3A_69 : i32
      %dma_start3A_71 = tpu.memref_slice %arg7[%mul3A_70] : memref<10000xi32, #tpu.memory_space<vmem>> -> memref<80xi32, #tpu.memory_space<vmem>>
      %dma_start3A_72 = arith.constant 0 : i32
      %dma_start3A_73 = arith.constant 0 : i32
      %dma_start3A_74 = tpu.memref_slice %arg2[%dma_start3A_72, %dma_start3A_73] : memref<10000x128xf32, #tpu.memory_space<hbm>> -> memref<10000x128xf32, #tpu.memory_space<hbm>>
      tpu.enqueue_indirect_dma source(%dma_start3A_74 : memref<10000x128xf32, #tpu.memory_space<hbm>>) target(%arg13 : memref<80x128xf32, #tpu.memory_space<vmem>>) offsets(%dma_start3A_71 : memref<80xi32, #tpu.memory_space<vmem>>) semaphore(%arg17 : memref<!tpu.dma_semaphore, #tpu.memory_space<semaphore_mem>>)
      %dma_wait3A_75 = arith.constant 0 : i32
      %dma_wait3A_76 = tpu.memref_slice %arg7[%dma_wait3A_75] : memref<10000xi32, #tpu.memory_space<vmem>> -> memref<80xi32, #tpu.memory_space<vmem>>
      %dma_wait3A_77 = arith.constant 0 : i32
      %dma_wait3A_78 = arith.constant 0 : i32
      %dma_wait3A_79 = tpu.memref_slice %arg2[%dma_wait3A_77, %dma_wait3A_78] : memref<10000x128xf32, #tpu.memory_space<hbm>> -> memref<10000x128xf32, #tpu.memory_space<hbm>>
      tpu.wait_indirect_dma semaphore(%arg15 : memref<!tpu.dma_semaphore, #tpu.memory_space<semaphore_mem>>) src(%dma_wait3A_79 : memref<10000x128xf32, #tpu.memory_space<hbm>>) dst(%arg11 : memref<80x128xf32, #tpu.memory_space<vmem>>)
      %dma_wait3A_80 = tpu.memref_slice %arg3[%mul3A_8] : memref<320000xi32, #tpu.memory_space<hbm>> -> memref<80xi32, #tpu.memory_space<hbm>>
      %dma_wait3A_81 = tpu.memref_slice %arg3[%mul3A_8] : memref<320000xi32, #tpu.memory_space<hbm>> -> memref<80xi32, #tpu.memory_space<hbm>>
      tpu.wait_dma2 semaphore(%arg21 : memref<!tpu.dma_semaphore, #tpu.memory_space<semaphore_mem>>) src(%dma_wait3A_81 : memref<80xi32, #tpu.memory_space<hbm>>) dst(%arg8 : memref<80xi32, #tpu.memory_space<vmem>>)
      %lt3A = arith.constant 125 : i32
      %lt3A_82 = arith.cmpi slt, %add3A_53, %lt3A : i32
      %convert_element_type3A_83 = arith.extui %lt3A_82 : i1 to i32
      %cond3A_84 = arith.constant 0 : i32
      %cond3A_85 = arith.cmpi ne, %convert_element_type3A_83, %cond3A_84 : i32
      scf.if %cond3A_85 {
        %dma_start3A_168 = arith.constant 0 : i32
        %dma_start3A_169 = arith.constant 0 : i32
        %dma_start3A_170 = tpu.memref_slice %arg14[%dma_start3A_168, %dma_start3A_169] : memref<10240x128xf32, #tpu.memory_space<vmem_shared>> -> memref<10240x128xf32, #tpu.memory_space<vmem_shared>>
        tpu.enqueue_indirect_dma source(%arg11 : memref<80x128xf32, #tpu.memory_space<vmem>>) target(%dma_start3A_170 : memref<10240x128xf32, #tpu.memory_space<vmem_shared>>) offsets(%arg8 : memref<80xi32, #tpu.memory_space<vmem>>) semaphore(%arg18 : memref<!tpu.dma_semaphore, #tpu.memory_space<semaphore_mem>>) {add = true}
      } else {
      }
      %add3A_86 = arith.constant 1 : i32
      %add3A_87 = arith.addi %mul3A_51, %add3A_86 : i32
      %ge3A_88 = arith.constant 1 : i32
      %ge3A_89 = arith.cmpi sge, %add3A_87, %ge3A_88 : i32
      %le3A_90 = arith.constant 125 : i32
      %le3A_91 = arith.cmpi sle, %add3A_87, %le3A_90 : i32
      %and3A_92 = arith.andi %ge3A_89, %le3A_91 : i1
      %convert_element_type3A_93 = arith.extui %and3A_92 : i1 to i32
      %cond3A_94 = arith.constant 0 : i32
      %cond3A_95 = arith.cmpi ne, %convert_element_type3A_93, %cond3A_94 : i32
      scf.if %cond3A_95 {
        %dma_wait3A_168 = arith.constant 0 : i32
        %dma_wait3A_169 = arith.constant 0 : i32
        %dma_wait3A_170 = tpu.memref_slice %arg14[%dma_wait3A_168, %dma_wait3A_169] : memref<10240x128xf32, #tpu.memory_space<vmem_shared>> -> memref<10240x128xf32, #tpu.memory_space<vmem_shared>>
        tpu.wait_indirect_dma semaphore(%arg18 : memref<!tpu.dma_semaphore, #tpu.memory_space<semaphore_mem>>) src(%arg11 : memref<80x128xf32, #tpu.memory_space<vmem>>) dst(%dma_wait3A_170 : memref<10240x128xf32, #tpu.memory_space<vmem_shared>>)
      } else {
      }
      %add3A_96 = arith.constant 2 : i32
      %add3A_97 = arith.addi %add3A_87, %add3A_96 : i32
      %min3A_98 = arith.constant 124 : i32
      %min3A_99 = arith.minsi %add3A_97, %min3A_98 : i32
      %mul3A_100 = arith.constant 80 : i32
      %mul3A_101 = arith.muli %min3A_99, %mul3A_100 : i32
      %add3A_102 = arith.addi %mul3A_8, %mul3A_101 : i32
      %dma_start3A_103 = tpu.memref_slice %arg3[%add3A_102] : memref<320000xi32, #tpu.memory_space<hbm>> -> memref<80xi32, #tpu.memory_space<hbm>>
      %dma_start3A_104 = tpu.memref_slice %arg3[%add3A_102] : memref<320000xi32, #tpu.memory_space<hbm>> -> memref<80xi32, #tpu.memory_space<hbm>>
      tpu.enqueue_dma source(%dma_start3A_104 : memref<80xi32, #tpu.memory_space<hbm>>) target(%arg8 : memref<80xi32, #tpu.memory_space<vmem>>) target_semaphore(%arg21 : memref<!tpu.dma_semaphore, #tpu.memory_space<semaphore_mem>>)
      %add3A_105 = arith.constant 2 : i32
      %add3A_106 = arith.addi %add3A_87, %add3A_105 : i32
      %min3A_107 = arith.constant 124 : i32
      %min3A_108 = arith.minsi %add3A_106, %min3A_107 : i32
      %mul3A_109 = arith.constant 80 : i32
      %mul3A_110 = arith.muli %min3A_108, %mul3A_109 : i32
      %dma_start3A_111 = tpu.memref_slice %arg7[%mul3A_110] : memref<10000xi32, #tpu.memory_space<vmem>> -> memref<80xi32, #tpu.memory_space<vmem>>
      %dma_start3A_112 = arith.constant 0 : i32
      %dma_start3A_113 = arith.constant 0 : i32
      %dma_start3A_114 = tpu.memref_slice %arg2[%dma_start3A_112, %dma_start3A_113] : memref<10000x128xf32, #tpu.memory_space<hbm>> -> memref<10000x128xf32, #tpu.memory_space<hbm>>
      tpu.enqueue_indirect_dma source(%dma_start3A_114 : memref<10000x128xf32, #tpu.memory_space<hbm>>) target(%arg11 : memref<80x128xf32, #tpu.memory_space<vmem>>) offsets(%dma_start3A_111 : memref<80xi32, #tpu.memory_space<vmem>>) semaphore(%arg15 : memref<!tpu.dma_semaphore, #tpu.memory_space<semaphore_mem>>)
      %dma_wait3A_115 = arith.constant 0 : i32
      %dma_wait3A_116 = tpu.memref_slice %arg7[%dma_wait3A_115] : memref<10000xi32, #tpu.memory_space<vmem>> -> memref<80xi32, #tpu.memory_space<vmem>>
      %dma_wait3A_117 = arith.constant 0 : i32
      %dma_wait3A_118 = arith.constant 0 : i32
      %dma_wait3A_119 = tpu.memref_slice %arg2[%dma_wait3A_117, %dma_wait3A_118] : memref<10000x128xf32, #tpu.memory_space<hbm>> -> memref<10000x128xf32, #tpu.memory_space<hbm>>
      tpu.wait_indirect_dma semaphore(%arg16 : memref<!tpu.dma_semaphore, #tpu.memory_space<semaphore_mem>>) src(%dma_wait3A_119 : memref<10000x128xf32, #tpu.memory_space<hbm>>) dst(%arg12 : memref<80x128xf32, #tpu.memory_space<vmem>>)
      %dma_wait3A_120 = tpu.memref_slice %arg3[%mul3A_8] : memref<320000xi32, #tpu.memory_space<hbm>> -> memref<80xi32, #tpu.memory_space<hbm>>
      %dma_wait3A_121 = tpu.memref_slice %arg3[%mul3A_8] : memref<320000xi32, #tpu.memory_space<hbm>> -> memref<80xi32, #tpu.memory_space<hbm>>
      tpu.wait_dma2 semaphore(%arg22 : memref<!tpu.dma_semaphore, #tpu.memory_space<semaphore_mem>>) src(%dma_wait3A_121 : memref<80xi32, #tpu.memory_space<hbm>>) dst(%arg9 : memref<80xi32, #tpu.memory_space<vmem>>)
      %lt3A_122 = arith.constant 125 : i32
      %lt3A_123 = arith.cmpi slt, %add3A_87, %lt3A_122 : i32
      %convert_element_type3A_124 = arith.extui %lt3A_123 : i1 to i32
      %cond3A_125 = arith.constant 0 : i32
      %cond3A_126 = arith.cmpi ne, %convert_element_type3A_124, %cond3A_125 : i32
      scf.if %cond3A_126 {
        %dma_start3A_168 = arith.constant 0 : i32
        %dma_start3A_169 = arith.constant 0 : i32
        %dma_start3A_170 = tpu.memref_slice %arg14[%dma_start3A_168, %dma_start3A_169] : memref<10240x128xf32, #tpu.memory_space<vmem_shared>> -> memref<10240x128xf32, #tpu.memory_space<vmem_shared>>
        tpu.enqueue_indirect_dma source(%arg12 : memref<80x128xf32, #tpu.memory_space<vmem>>) target(%dma_start3A_170 : memref<10240x128xf32, #tpu.memory_space<vmem_shared>>) offsets(%arg9 : memref<80xi32, #tpu.memory_space<vmem>>) semaphore(%arg19 : memref<!tpu.dma_semaphore, #tpu.memory_space<semaphore_mem>>) {add = true}
      } else {
      }
      %add3A_127 = arith.constant 2 : i32
      %add3A_128 = arith.addi %mul3A_51, %add3A_127 : i32
      %ge3A_129 = arith.constant 1 : i32
      %ge3A_130 = arith.cmpi sge, %add3A_128, %ge3A_129 : i32
      %le3A_131 = arith.constant 125 : i32
      %le3A_132 = arith.cmpi sle, %add3A_128, %le3A_131 : i32
      %and3A_133 = arith.andi %ge3A_130, %le3A_132 : i1
      %convert_element_type3A_134 = arith.extui %and3A_133 : i1 to i32
      %cond3A_135 = arith.constant 0 : i32
      %cond3A_136 = arith.cmpi ne, %convert_element_type3A_134, %cond3A_135 : i32
      scf.if %cond3A_136 {
        %dma_wait3A_168 = arith.constant 0 : i32
        %dma_wait3A_169 = arith.constant 0 : i32
        %dma_wait3A_170 = tpu.memref_slice %arg14[%dma_wait3A_168, %dma_wait3A_169] : memref<10240x128xf32, #tpu.memory_space<vmem_shared>> -> memref<10240x128xf32, #tpu.memory_space<vmem_shared>>
        tpu.wait_indirect_dma semaphore(%arg19 : memref<!tpu.dma_semaphore, #tpu.memory_space<semaphore_mem>>) src(%arg12 : memref<80x128xf32, #tpu.memory_space<vmem>>) dst(%dma_wait3A_170 : memref<10240x128xf32, #tpu.memory_space<vmem_shared>>)
      } else {
      }
      %add3A_137 = arith.constant 2 : i32
      %add3A_138 = arith.addi %add3A_128, %add3A_137 : i32
      %min3A_139 = arith.constant 124 : i32
      %min3A_140 = arith.minsi %add3A_138, %min3A_139 : i32
      %mul3A_141 = arith.constant 80 : i32
      %mul3A_142 = arith.muli %min3A_140, %mul3A_141 : i32
      %add3A_143 = arith.addi %mul3A_8, %mul3A_142 : i32
      %dma_start3A_144 = tpu.memref_slice %arg3[%add3A_143] : memref<320000xi32, #tpu.memory_space<hbm>> -> memref<80xi32, #tpu.memory_space<hbm>>
      %dma_start3A_145 = tpu.memref_slice %arg3[%add3A_143] : memref<320000xi32, #tpu.memory_space<hbm>> -> memref<80xi32, #tpu.memory_space<hbm>>
      tpu.enqueue_dma source(%dma_start3A_145 : memref<80xi32, #tpu.memory_space<hbm>>) target(%arg9 : memref<80xi32, #tpu.memory_space<vmem>>) target_semaphore(%arg22 : memref<!tpu.dma_semaphore, #tpu.memory_space<semaphore_mem>>)
      %add3A_146 = arith.constant 2 : i32
      %add3A_147 = arith.addi %add3A_128, %add3A_146 : i32
      %min3A_148 = arith.constant 124 : i32
      %min3A_149 = arith.minsi %add3A_147, %min3A_148 : i32
      %mul3A_150 = arith.constant 80 : i32
      %mul3A_151 = arith.muli %min3A_149, %mul3A_150 : i32
      %dma_start3A_152 = tpu.memref_slice %arg7[%mul3A_151] : memref<10000xi32, #tpu.memory_space<vmem>> -> memref<80xi32, #tpu.memory_space<vmem>>
      %dma_start3A_153 = arith.constant 0 : i32
      %dma_start3A_154 = arith.constant 0 : i32
      %dma_start3A_155 = tpu.memref_slice %arg2[%dma_start3A_153, %dma_start3A_154] : memref<10000x128xf32, #tpu.memory_space<hbm>> -> memref<10000x128xf32, #tpu.memory_space<hbm>>
      tpu.enqueue_indirect_dma source(%dma_start3A_155 : memref<10000x128xf32, #tpu.memory_space<hbm>>) target(%arg12 : memref<80x128xf32, #tpu.memory_space<vmem>>) offsets(%dma_start3A_152 : memref<80xi32, #tpu.memory_space<vmem>>) semaphore(%arg16 : memref<!tpu.dma_semaphore, #tpu.memory_space<semaphore_mem>>)
      %dma_wait3A_156 = arith.constant 0 : i32
      %dma_wait3A_157 = tpu.memref_slice %arg7[%dma_wait3A_156] : memref<10000xi32, #tpu.memory_space<vmem>> -> memref<80xi32, #tpu.memory_space<vmem>>
      %dma_wait3A_158 = arith.constant 0 : i32
      %dma_wait3A_159 = arith.constant 0 : i32
      %dma_wait3A_160 = tpu.memref_slice %arg2[%dma_wait3A_158, %dma_wait3A_159] : memref<10000x128xf32, #tpu.memory_space<hbm>> -> memref<10000x128xf32, #tpu.memory_space<hbm>>
      tpu.wait_indirect_dma semaphore(%arg17 : memref<!tpu.dma_semaphore, #tpu.memory_space<semaphore_mem>>) src(%dma_wait3A_160 : memref<10000x128xf32, #tpu.memory_space<hbm>>) dst(%arg13 : memref<80x128xf32, #tpu.memory_space<vmem>>)
      %dma_wait3A_161 = tpu.memref_slice %arg3[%mul3A_8] : memref<320000xi32, #tpu.memory_space<hbm>> -> memref<80xi32, #tpu.memory_space<hbm>>
      %dma_wait3A_162 = tpu.memref_slice %arg3[%mul3A_8] : memref<320000xi32, #tpu.memory_space<hbm>> -> memref<80xi32, #tpu.memory_space<hbm>>
      tpu.wait_dma2 semaphore(%arg23 : memref<!tpu.dma_semaphore, #tpu.memory_space<semaphore_mem>>) src(%dma_wait3A_162 : memref<80xi32, #tpu.memory_space<hbm>>) dst(%arg10 : memref<80xi32, #tpu.memory_space<vmem>>)
      %lt3A_163 = arith.constant 125 : i32
      %lt3A_164 = arith.cmpi slt, %add3A_128, %lt3A_163 : i32
      %convert_element_type3A_165 = arith.extui %lt3A_164 : i1 to i32
      %cond3A_166 = arith.constant 0 : i32
      %cond3A_167 = arith.cmpi ne, %convert_element_type3A_165, %cond3A_166 : i32
      scf.if %cond3A_167 {
        %dma_start3A_168 = arith.constant 0 : i32
        %dma_start3A_169 = arith.constant 0 : i32
        %dma_start3A_170 = tpu.memref_slice %arg14[%dma_start3A_168, %dma_start3A_169] : memref<10240x128xf32, #tpu.memory_space<vmem_shared>> -> memref<10240x128xf32, #tpu.memory_space<vmem_shared>>
        tpu.enqueue_indirect_dma source(%arg13 : memref<80x128xf32, #tpu.memory_space<vmem>>) target(%dma_start3A_170 : memref<10240x128xf32, #tpu.memory_space<vmem_shared>>) offsets(%arg10 : memref<80xi32, #tpu.memory_space<vmem>>) semaphore(%arg20 : memref<!tpu.dma_semaphore, #tpu.memory_space<semaphore_mem>>) {add = true}
      } else {
      }
    }
    %scan3A_30 = arith.constant 42 : i32
    %dma_wait3A = tpu.memref_slice %arg3[%mul3A_8] : memref<320000xi32, #tpu.memory_space<hbm>> -> memref<80xi32, #tpu.memory_space<hbm>>
    %dma_wait3A_31 = tpu.memref_slice %arg3[%mul3A_8] : memref<320000xi32, #tpu.memory_space<hbm>> -> memref<80xi32, #tpu.memory_space<hbm>>
    tpu.wait_dma2 semaphore(%arg21 : memref<!tpu.dma_semaphore, #tpu.memory_space<semaphore_mem>>) src(%dma_wait3A_31 : memref<80xi32, #tpu.memory_space<hbm>>) dst(%arg8 : memref<80xi32, #tpu.memory_space<vmem>>)
    %dma_wait3A_32 = tpu.memref_slice %arg3[%mul3A_8] : memref<320000xi32, #tpu.memory_space<hbm>> -> memref<80xi32, #tpu.memory_space<hbm>>
    %dma_wait3A_33 = tpu.memref_slice %arg3[%mul3A_8] : memref<320000xi32, #tpu.memory_space<hbm>> -> memref<80xi32, #tpu.memory_space<hbm>>
    tpu.wait_dma2 semaphore(%arg22 : memref<!tpu.dma_semaphore, #tpu.memory_space<semaphore_mem>>) src(%dma_wait3A_33 : memref<80xi32, #tpu.memory_space<hbm>>) dst(%arg9 : memref<80xi32, #tpu.memory_space<vmem>>)
    %dma_wait3A_34 = arith.constant 0 : i32
    %dma_wait3A_35 = tpu.memref_slice %arg7[%dma_wait3A_34] : memref<10000xi32, #tpu.memory_space<vmem>> -> memref<80xi32, #tpu.memory_space<vmem>>
    %dma_wait3A_36 = arith.constant 0 : i32
    %dma_wait3A_37 = arith.constant 0 : i32
    %dma_wait3A_38 = tpu.memref_slice %arg2[%dma_wait3A_36, %dma_wait3A_37] : memref<10000x128xf32, #tpu.memory_space<hbm>> -> memref<10000x128xf32, #tpu.memory_space<hbm>>
    tpu.wait_indirect_dma semaphore(%arg15 : memref<!tpu.dma_semaphore, #tpu.memory_space<semaphore_mem>>) src(%dma_wait3A_38 : memref<10000x128xf32, #tpu.memory_space<hbm>>) dst(%arg11 : memref<80x128xf32, #tpu.memory_space<vmem>>)
    %dma_wait3A_39 = arith.constant 0 : i32
    %dma_wait3A_40 = tpu.memref_slice %arg7[%dma_wait3A_39] : memref<10000xi32, #tpu.memory_space<vmem>> -> memref<80xi32, #tpu.memory_space<vmem>>
    %dma_wait3A_41 = arith.constant 0 : i32
    %dma_wait3A_42 = arith.constant 0 : i32
    %dma_wait3A_43 = tpu.memref_slice %arg2[%dma_wait3A_41, %dma_wait3A_42] : memref<10000x128xf32, #tpu.memory_space<hbm>> -> memref<10000x128xf32, #tpu.memory_space<hbm>>
    tpu.wait_indirect_dma semaphore(%arg16 : memref<!tpu.dma_semaphore, #tpu.memory_space<semaphore_mem>>) src(%dma_wait3A_43 : memref<10000x128xf32, #tpu.memory_space<hbm>>) dst(%arg12 : memref<80x128xf32, #tpu.memory_space<vmem>>)
    %barrier3A_44 = arith.constant 0 : index
    tpu.barrier barrier_id(%barrier3A_44)
    %mul3A_45 = arith.constant 640 : i32
    %mul3A_46 = arith.muli %arg1, %mul3A_45 : i32
    %mul3A_47 = arith.constant 640 : i32
    %mul3A_48 = arith.muli %arg1, %mul3A_47 : i32
    "tpu.region"() ({
      %run_scoped3A = tpu.sem_alloc : memref<!tpu.dma_semaphore, #tpu.memory_space<semaphore_mem>>
      %dma_start3A_49 = arith.constant 0 : i32
      %dma_start3A_50 = tpu.memref_slice %arg6[%arg0, %mul3A_48, %dma_start3A_49] : memref<2x10240x128xf32, #tpu.memory_space<hbm>> -> memref<1x640x128xf32, #tpu.memory_space<hbm>>
      %dma_start3A_51 = tpu.memref_squeeze %dma_start3A_50 : memref<1x640x128xf32, #tpu.memory_space<hbm>> -> memref<640x128xf32, #tpu.memory_space<hbm>>
      %dma_start3A_52 = arith.constant 0 : i32
      %dma_start3A_53 = tpu.memref_slice %arg14[%mul3A_46, %dma_start3A_52] : memref<10240x128xf32, #tpu.memory_space<vmem_shared>> -> memref<640x128xf32, #tpu.memory_space<vmem_shared>>
      tpu.enqueue_dma source(%dma_start3A_53 : memref<640x128xf32, #tpu.memory_space<vmem_shared>>) target(%dma_start3A_51 : memref<640x128xf32, #tpu.memory_space<hbm>>) target_semaphore(%run_scoped3A : memref<!tpu.dma_semaphore, #tpu.memory_space<semaphore_mem>>)
      %dma_wait3A_54 = arith.constant 0 : i32
      %dma_wait3A_55 = tpu.memref_slice %arg6[%arg0, %mul3A_48, %dma_wait3A_54] : memref<2x10240x128xf32, #tpu.memory_space<hbm>> -> memref<1x640x128xf32, #tpu.memory_space<hbm>>
      %dma_wait3A_56 = tpu.memref_squeeze %dma_wait3A_55 : memref<1x640x128xf32, #tpu.memory_space<hbm>> -> memref<640x128xf32, #tpu.memory_space<hbm>>
      %dma_wait3A_57 = arith.constant 0 : i32
      %dma_wait3A_58 = tpu.memref_slice %arg14[%mul3A_46, %dma_wait3A_57] : memref<10240x128xf32, #tpu.memory_space<vmem_shared>> -> memref<640x128xf32, #tpu.memory_space<vmem_shared>>
      tpu.wait_dma2 semaphore(%run_scoped3A : memref<!tpu.dma_semaphore, #tpu.memory_space<semaphore_mem>>) src(%dma_wait3A_58 : memref<640x128xf32, #tpu.memory_space<vmem_shared>>) dst(%dma_wait3A_56 : memref<640x128xf32, #tpu.memory_space<hbm>>)
      tpu.yield
    }) : () -> ()
    return
  }
}

#map = affine_map<(d0, d1) -> (0)>
#map1 = affine_map<(d0, d1) -> (0, 0)>
module attributes {stable_mosaic.version = 14 : i64} {
  func.func @_deg_body(%arg0: i32, %arg1: i32, %arg2: memref<320000xi32, #tpu.memory_space<hbm>>, %arg3: memref<320000xi32, #tpu.memory_space<hbm>>, %arg4: memref<32x10000xf32, #tpu.memory_space<hbm>>, %arg5: memref<32x10000xf32, #tpu.memory_space<hbm>>, %arg6: memref<10000xi32, #tpu.memory_space<vmem>>, %arg7: memref<10000xi32, #tpu.memory_space<vmem>>, %arg8: memref<10000xf32, #tpu.memory_space<vmem>>, %arg9: memref<10000xf32, #tpu.memory_space<vmem>>) attributes {dimension_semantics = [#tpu.dimension_semantics<core_parallel>, #tpu.dimension_semantics<subcore_parallel>], iteration_bounds = array<i64: 2, 16>, scalar_prefetch = 0 : i64, scratch_operands = 4 : i64, tpu.core_type = #tpu.core_type<sc_vector_subcore>, window_params = [{transform_indices = #map}, {transform_indices = #map}, {transform_indices = #map1}, {transform_indices = #map1}]} {
    %mul3A = arith.constant 16 : i32
    %mul3A_0 = arith.muli %arg0, %mul3A : i32
    %add3A = arith.addi %mul3A_0, %arg1 : i32
    %mul3A_1 = arith.constant 10000 : i32
    %mul3A_2 = arith.muli %add3A, %mul3A_1 : i32
    "tpu.region"() ({
      %run_scoped3A = tpu.sem_alloc : memref<!tpu.dma_semaphore, #tpu.memory_space<semaphore_mem>>
      %dma_start3A = tpu.memref_slice %arg2[%mul3A_2] : memref<320000xi32, #tpu.memory_space<hbm>> -> memref<10000xi32, #tpu.memory_space<hbm>>
      %dma_start3A_19 = tpu.memref_slice %arg2[%mul3A_2] : memref<320000xi32, #tpu.memory_space<hbm>> -> memref<10000xi32, #tpu.memory_space<hbm>>
      tpu.enqueue_dma source(%dma_start3A_19 : memref<10000xi32, #tpu.memory_space<hbm>>) target(%arg6 : memref<10000xi32, #tpu.memory_space<vmem>>) target_semaphore(%run_scoped3A : memref<!tpu.dma_semaphore, #tpu.memory_space<semaphore_mem>>)
      %dma_wait3A = tpu.memref_slice %arg2[%mul3A_2] : memref<320000xi32, #tpu.memory_space<hbm>> -> memref<10000xi32, #tpu.memory_space<hbm>>
      %dma_wait3A_20 = tpu.memref_slice %arg2[%mul3A_2] : memref<320000xi32, #tpu.memory_space<hbm>> -> memref<10000xi32, #tpu.memory_space<hbm>>
      tpu.wait_dma2 semaphore(%run_scoped3A : memref<!tpu.dma_semaphore, #tpu.memory_space<semaphore_mem>>) src(%dma_wait3A_20 : memref<10000xi32, #tpu.memory_space<hbm>>) dst(%arg6 : memref<10000xi32, #tpu.memory_space<vmem>>)
      tpu.yield
    }) : () -> ()
    %mul3A_3 = arith.constant 10000 : i32
    %mul3A_4 = arith.muli %add3A, %mul3A_3 : i32
    "tpu.region"() ({
      %run_scoped3A = tpu.sem_alloc : memref<!tpu.dma_semaphore, #tpu.memory_space<semaphore_mem>>
      %dma_start3A = tpu.memref_slice %arg3[%mul3A_4] : memref<320000xi32, #tpu.memory_space<hbm>> -> memref<10000xi32, #tpu.memory_space<hbm>>
      %dma_start3A_19 = tpu.memref_slice %arg3[%mul3A_4] : memref<320000xi32, #tpu.memory_space<hbm>> -> memref<10000xi32, #tpu.memory_space<hbm>>
      tpu.enqueue_dma source(%dma_start3A_19 : memref<10000xi32, #tpu.memory_space<hbm>>) target(%arg7 : memref<10000xi32, #tpu.memory_space<vmem>>) target_semaphore(%run_scoped3A : memref<!tpu.dma_semaphore, #tpu.memory_space<semaphore_mem>>)
      %dma_wait3A = tpu.memref_slice %arg3[%mul3A_4] : memref<320000xi32, #tpu.memory_space<hbm>> -> memref<10000xi32, #tpu.memory_space<hbm>>
      %dma_wait3A_20 = tpu.memref_slice %arg3[%mul3A_4] : memref<320000xi32, #tpu.memory_space<hbm>> -> memref<10000xi32, #tpu.memory_space<hbm>>
      tpu.wait_dma2 semaphore(%run_scoped3A : memref<!tpu.dma_semaphore, #tpu.memory_space<semaphore_mem>>) src(%dma_wait3A_20 : memref<10000xi32, #tpu.memory_space<hbm>>) dst(%arg7 : memref<10000xi32, #tpu.memory_space<vmem>>)
      tpu.yield
    }) : () -> ()
    %broadcast_in_dim3A = arith.constant 0.000000e+00 : f32
    %broadcast_in_dim3A_5 = vector.broadcast %broadcast_in_dim3A : f32 to vector<16xf32>
    %scan3A = arith.constant 0 : i32
    %scan3A_6 = arith.constant 0 : i32
    %scan3A_7 = arith.constant 625 : i32
    %scan3A_8 = arith.addi %scan3A_6, %scan3A_7 : i32
    %scan3A_9 = arith.constant 1 : i32
    scf.for %scan3A_19 = %scan3A_6 to %scan3A_8 step %scan3A_9  : i32 {
      %mul3A_20 = arith.constant 16 : i32
      %mul3A_21 = arith.muli %scan3A_19, %mul3A_20 : i32
      %swap3A = arith.index_cast %mul3A_21 : i32 to index
      %swap3A_22 = tpu.vector_load %arg8[%swap3A] {strides = array<i32>} : memref<10000xf32, #tpu.memory_space<vmem>>, vector<16xf32>,
      tpu.vector_store %arg8[%swap3A], %broadcast_in_dim3A_5 {strides = array<i32>} : memref<10000xf32, #tpu.memory_space<vmem>>, vector<16xf32>,
      %mul3A_23 = arith.constant 16 : i32
      %mul3A_24 = arith.muli %scan3A_19, %mul3A_23 : i32
      %swap3A_25 = arith.index_cast %mul3A_24 : i32 to index
      %swap3A_26 = tpu.vector_load %arg9[%swap3A_25] {strides = array<i32>} : memref<10000xf32, #tpu.memory_space<vmem>>, vector<16xf32>,
      tpu.vector_store %arg9[%swap3A_25], %broadcast_in_dim3A_5 {strides = array<i32>} : memref<10000xf32, #tpu.memory_space<vmem>>, vector<16xf32>,
    }
    %scan3A_10 = arith.constant 625 : i32
    %broadcast_in_dim3A_11 = arith.constant 1.000000e+00 : f32
    %broadcast_in_dim3A_12 = vector.broadcast %broadcast_in_dim3A_11 : f32 to vector<16xf32>
    %scan3A_13 = arith.constant 0 : i32
    %scan3A_14 = arith.constant 0 : i32
    %scan3A_15 = arith.constant 625 : i32
    %scan3A_16 = arith.addi %scan3A_14, %scan3A_15 : i32
    %scan3A_17 = arith.constant 1 : i32
    scf.for %scan3A_19 = %scan3A_14 to %scan3A_16 step %scan3A_17  : i32 {
      %mul3A_20 = arith.constant 16 : i32
      %mul3A_21 = arith.muli %scan3A_19, %mul3A_20 : i32
      %get3A = arith.index_cast %mul3A_21 : i32 to index
      %get3A_22 = tpu.vector_load %arg7[%get3A] {strides = array<i32>} : memref<10000xi32, #tpu.memory_space<vmem>>, vector<16xi32>,
      tpu.vector_store_idx %arg8[%get3A_22], %broadcast_in_dim3A_12 {add = true} : memref<10000xf32, #tpu.memory_space<vmem>>[vector<16xi32>], vector<16xf32>,
      %mul3A_23 = arith.constant 16 : i32
      %mul3A_24 = arith.muli %scan3A_19, %mul3A_23 : i32
      %get3A_25 = arith.index_cast %mul3A_24 : i32 to index
      %get3A_26 = tpu.vector_load %arg6[%get3A_25] {strides = array<i32>} : memref<10000xi32, #tpu.memory_space<vmem>>, vector<16xi32>,
      %eq3A = arith.cmpi eq, %get3A_26, %get3A_22 : vector<16xi32>
      tpu.vector_store_idx %arg9[%get3A_26], %broadcast_in_dim3A_12 masked %eq3A {add = true} : memref<10000xf32, #tpu.memory_space<vmem>>[vector<16xi32>], vector<16xf32>, vector<16xi1>
    }
    %scan3A_18 = arith.constant 625 : i32
    "tpu.region"() ({
      %run_scoped3A = tpu.sem_alloc : memref<!tpu.dma_semaphore, #tpu.memory_space<semaphore_mem>>
      %dma_start3A = arith.constant 0 : i32
      %dma_start3A_19 = tpu.memref_slice %arg4[%add3A, %dma_start3A] : memref<32x10000xf32, #tpu.memory_space<hbm>> -> memref<1x10000xf32, #tpu.memory_space<hbm>>
      %dma_start3A_20 = tpu.memref_squeeze %dma_start3A_19 : memref<1x10000xf32, #tpu.memory_space<hbm>> -> memref<10000xf32, #tpu.memory_space<hbm>>
      %dma_start3A_21 = arith.constant 0 : i32
      %dma_start3A_22 = tpu.memref_slice %arg4[%add3A, %dma_start3A_21] : memref<32x10000xf32, #tpu.memory_space<hbm>> -> memref<1x10000xf32, #tpu.memory_space<hbm>>
      %dma_start3A_23 = tpu.memref_squeeze %dma_start3A_22 : memref<1x10000xf32, #tpu.memory_space<hbm>> -> memref<10000xf32, #tpu.memory_space<hbm>>
      tpu.enqueue_dma source(%arg8 : memref<10000xf32, #tpu.memory_space<vmem>>) target(%dma_start3A_23 : memref<10000xf32, #tpu.memory_space<hbm>>) target_semaphore(%run_scoped3A : memref<!tpu.dma_semaphore, #tpu.memory_space<semaphore_mem>>)
      %dma_wait3A = arith.constant 0 : i32
      %dma_wait3A_24 = tpu.memref_slice %arg4[%add3A, %dma_wait3A] : memref<32x10000xf32, #tpu.memory_space<hbm>> -> memref<1x10000xf32, #tpu.memory_space<hbm>>
      %dma_wait3A_25 = tpu.memref_squeeze %dma_wait3A_24 : memref<1x10000xf32, #tpu.memory_space<hbm>> -> memref<10000xf32, #tpu.memory_space<hbm>>
      %dma_wait3A_26 = arith.constant 0 : i32
      %dma_wait3A_27 = tpu.memref_slice %arg4[%add3A, %dma_wait3A_26] : memref<32x10000xf32, #tpu.memory_space<hbm>> -> memref<1x10000xf32, #tpu.memory_space<hbm>>
      %dma_wait3A_28 = tpu.memref_squeeze %dma_wait3A_27 : memref<1x10000xf32, #tpu.memory_space<hbm>> -> memref<10000xf32, #tpu.memory_space<hbm>>
      tpu.wait_dma2 semaphore(%run_scoped3A : memref<!tpu.dma_semaphore, #tpu.memory_space<semaphore_mem>>) src(%arg8 : memref<10000xf32, #tpu.memory_space<vmem>>) dst(%dma_wait3A_28 : memref<10000xf32, #tpu.memory_space<hbm>>)
      tpu.yield
    }) : () -> ()
    "tpu.region"() ({
      %run_scoped3A = tpu.sem_alloc : memref<!tpu.dma_semaphore, #tpu.memory_space<semaphore_mem>>
      %dma_start3A = arith.constant 0 : i32
      %dma_start3A_19 = tpu.memref_slice %arg5[%add3A, %dma_start3A] : memref<32x10000xf32, #tpu.memory_space<hbm>> -> memref<1x10000xf32, #tpu.memory_space<hbm>>
      %dma_start3A_20 = tpu.memref_squeeze %dma_start3A_19 : memref<1x10000xf32, #tpu.memory_space<hbm>> -> memref<10000xf32, #tpu.memory_space<hbm>>
      %dma_start3A_21 = arith.constant 0 : i32
      %dma_start3A_22 = tpu.memref_slice %arg5[%add3A, %dma_start3A_21] : memref<32x10000xf32, #tpu.memory_space<hbm>> -> memref<1x10000xf32, #tpu.memory_space<hbm>>
      %dma_start3A_23 = tpu.memref_squeeze %dma_start3A_22 : memref<1x10000xf32, #tpu.memory_space<hbm>> -> memref<10000xf32, #tpu.memory_space<hbm>>
      tpu.enqueue_dma source(%arg9 : memref<10000xf32, #tpu.memory_space<vmem>>) target(%dma_start3A_23 : memref<10000xf32, #tpu.memory_space<hbm>>) target_semaphore(%run_scoped3A : memref<!tpu.dma_semaphore, #tpu.memory_space<semaphore_mem>>)
      %dma_wait3A = arith.constant 0 : i32
      %dma_wait3A_24 = tpu.memref_slice %arg5[%add3A, %dma_wait3A] : memref<32x10000xf32, #tpu.memory_space<hbm>> -> memref<1x10000xf32, #tpu.memory_space<hbm>>
      %dma_wait3A_25 = tpu.memref_squeeze %dma_wait3A_24 : memref<1x10000xf32, #tpu.memory_space<hbm>> -> memref<10000xf32, #tpu.memory_space<hbm>>
      %dma_wait3A_26 = arith.constant 0 : i32
      %dma_wait3A_27 = tpu.memref_slice %arg5[%add3A, %dma_wait3A_26] : memref<32x10000xf32, #tpu.memory_space<hbm>> -> memref<1x10000xf32, #tpu.memory_space<hbm>>
      %dma_wait3A_28 = tpu.memref_squeeze %dma_wait3A_27 : memref<1x10000xf32, #tpu.memory_space<hbm>> -> memref<10000xf32, #tpu.memory_space<hbm>>
      tpu.wait_dma2 semaphore(%run_scoped3A : memref<!tpu.dma_semaphore, #tpu.memory_space<semaphore_mem>>) src(%arg9 : memref<10000xf32, #tpu.memory_space<vmem>>) dst(%dma_wait3A_28 : memref<10000xf32, #tpu.memory_space<hbm>>)
      tpu.yield
    }) : () -> ()
    return
  }
}

module attributes {stable_mosaic.version = 14 : i64} {
  func.func @_prep_body(%arg0: memref<32x10000xf32, #tpu.memory_space<vmem>>, %arg1: memref<32x10000xf32, #tpu.memory_space<vmem>>, %arg2: memref<10000x128xf32, #tpu.memory_space<vmem>>, %arg3: memref<10000x128xf32, #tpu.memory_space<vmem>>, %arg4: memref<10000x1xf32, #tpu.memory_space<vmem>>, %arg5: memref<10000x1xf32, #tpu.memory_space<vmem>>) attributes {dimension_semantics = [], scalar_prefetch = 0 : i64, scratch_operands = 0 : i64, tpu.core_type = #tpu.core_type<tc>} {
    %get3A = arith.constant 0 : index
    %get3A_0 = arith.constant 0 : index
    %get3A_1 = vector.load %arg0[%get3A, %get3A_0] : memref<32x10000xf32, #tpu.memory_space<vmem>>, vector<32x10000xf32>
    %reduce_sum3A = arith.constant dense<0.000000e+00> : vector<10000xf32>
    %reduce_sum3A_2 = vector.multi_reduction <add>, %get3A_1, %reduce_sum3A [0] : vector<32x10000xf32> to vector<10000xf32>
    %add3A = arith.constant 1.000000e+00 : f32
    %add3A_3 = vector.broadcast %add3A : f32 to vector<10000xf32>
    %add3A_4 = arith.addf %add3A_3, %reduce_sum3A_2 : vector<10000xf32>
    %div3A = arith.constant 1.000000e+00 : f32
    %div3A_5 = vector.broadcast %div3A : f32 to vector<10000xf32>
    %div3A_6 = arith.divf %div3A_5, %add3A_4 : vector<10000xf32>
    %get3A_7 = arith.constant 0 : index
    %get3A_8 = arith.constant 0 : index
    %get3A_9 = vector.load %arg1[%get3A_7, %get3A_8] : memref<32x10000xf32, #tpu.memory_space<vmem>>, vector<32x10000xf32>
    %reduce_sum3A_10 = arith.constant dense<0.000000e+00> : vector<10000xf32>
    %reduce_sum3A_11 = vector.multi_reduction <add>, %get3A_9, %reduce_sum3A_10 [0] : vector<32x10000xf32> to vector<10000xf32>
    %add3A_12 = arith.constant 1.000000e+00 : f32
    %add3A_13 = vector.broadcast %add3A_12 : f32 to vector<10000xf32>
    %add3A_14 = arith.addf %add3A_13, %reduce_sum3A_11 : vector<10000xf32>
    %mul3A = arith.constant 1.000000e+00 : f32
    %mul3A_15 = vector.broadcast %mul3A : f32 to vector<10000xf32>
    %mul3A_16 = arith.mulf %mul3A_15, %add3A_14 : vector<10000xf32>
    %add3A_17 = arith.addf %div3A_6, %mul3A_16 : vector<10000xf32>
    %broadcast_in_dim3A = vector.shape_cast %div3A_6 : vector<10000xf32> to vector<10000x1xf32>
    %swap3A = arith.constant 0 : index
    %swap3A_18 = arith.constant 0 : index
    %swap3A_19 = vector.load %arg4[%swap3A, %swap3A_18] : memref<10000x1xf32, #tpu.memory_space<vmem>>, vector<10000x1xf32>
    tpu.vector_store %arg4[%swap3A, %swap3A_18], %broadcast_in_dim3A {strides = array<i32>} : memref<10000x1xf32, #tpu.memory_space<vmem>>, vector<10000x1xf32>,
    %broadcast_in_dim3A_20 = vector.shape_cast %add3A_17 : vector<10000xf32> to vector<10000x1xf32>
    %swap3A_21 = arith.constant 0 : index
    %swap3A_22 = arith.constant 0 : index
    %swap3A_23 = vector.load %arg5[%swap3A_21, %swap3A_22] : memref<10000x1xf32, #tpu.memory_space<vmem>>, vector<10000x1xf32>
    tpu.vector_store %arg5[%swap3A_21, %swap3A_22], %broadcast_in_dim3A_20 {strides = array<i32>} : memref<10000x1xf32, #tpu.memory_space<vmem>>, vector<10000x1xf32>,
    %broadcast_in_dim3A_24 = vector.shape_cast %div3A_6 : vector<10000xf32> to vector<10000x1xf32>
    %get3A_25 = arith.constant 0 : index
    %get3A_26 = arith.constant 0 : index
    %get3A_27 = vector.load %arg2[%get3A_25, %get3A_26] : memref<10000x128xf32, #tpu.memory_space<vmem>>, vector<10000x128xf32>
    %mul3A_28 = vector.broadcast %broadcast_in_dim3A_24 : vector<10000x1xf32> to vector<10000x128xf32>
    %mul3A_29 = arith.mulf %mul3A_28, %get3A_27 : vector<10000x128xf32>
    %swap3A_30 = arith.constant 0 : index
    %swap3A_31 = arith.constant 0 : index
    %swap3A_32 = vector.load %arg3[%swap3A_30, %swap3A_31] : memref<10000x128xf32, #tpu.memory_space<vmem>>, vector<10000x128xf32>
    tpu.vector_store %arg3[%swap3A_30, %swap3A_31], %mul3A_29 {strides = array<i32>} : memref<10000x128xf32, #tpu.memory_space<vmem>>, vector<10000x128xf32>,
    return
  }
}

module attributes {stable_mosaic.version = 14 : i64} {
  func.func @_layer1_body(%arg0: i32, %arg1: memref<2x1000x128xf32, #tpu.memory_space<vmem>>, %arg2: memref<1000x128xf32, #tpu.memory_space<vmem>>, %arg3: memref<1000x1xf32, #tpu.memory_space<vmem>>, %arg4: memref<1000x1xf32, #tpu.memory_space<vmem>>, %arg5: memref<128x128xf32, #tpu.memory_space<vmem>>, %arg6: memref<128xf32, #tpu.memory_space<vmem>>, %arg7: memref<1000x128xf32, #tpu.memory_space<vmem>>, %arg8: memref<1000x128xf32, #tpu.memory_space<vmem>>) attributes {dimension_semantics = [#tpu.dimension_semantics<arbitrary>], iteration_bounds = array<i64: 10>, scalar_prefetch = 0 : i64, scratch_operands = 0 : i64, tpu.core_type = #tpu.core_type<tc>, window_params = [{transform_indices = @transform_0, window_bounds = array<i64: 2, 1000, 128>}, {transform_indices = @transform_1, window_bounds = array<i64: 1000, 128>}, {transform_indices = @transform_2, window_bounds = array<i64: 1000, 1>}, {transform_indices = @transform_3, window_bounds = array<i64: 1000, 1>}, {pipeline_mode = #tpu.pipeline_mode<synchronous>, transform_indices = @transform_4, window_bounds = array<i64: 128, 128>}, {pipeline_mode = #tpu.pipeline_mode<synchronous>, transform_indices = @transform_5, window_bounds = array<i64: 128>}, {transform_indices = @transform_6, window_bounds = array<i64: 1000, 128>}, {transform_indices = @transform_7, window_bounds = array<i64: 1000, 128>}]} {
    %get3A = arith.constant 0 : index
    %get3A_0 = arith.constant 0 : index
    %get3A_1 = arith.constant 0 : index
    %get3A_2 = vector.load %arg1[%get3A, %get3A_0, %get3A_1] : memref<2x1000x128xf32, #tpu.memory_space<vmem>>, vector<1x1000x128xf32>
    %get3A_3 = vector.shape_cast %get3A_2 : vector<1x1000x128xf32> to vector<1000x128xf32>
    %get3A_4 = arith.constant 1 : index
    %get3A_5 = arith.constant 0 : index
    %get3A_6 = arith.constant 0 : index
    %get3A_7 = vector.load %arg1[%get3A_4, %get3A_5, %get3A_6] : memref<2x1000x128xf32, #tpu.memory_space<vmem>>, vector<1x1000x128xf32>
    %get3A_8 = vector.shape_cast %get3A_7 : vector<1x1000x128xf32> to vector<1000x128xf32>
    %add3A = arith.addf %get3A_3, %get3A_8 : vector<1000x128xf32>
    %get3A_9 = arith.constant 0 : index
    %get3A_10 = arith.constant 0 : index
    %get3A_11 = vector.load %arg3[%get3A_9, %get3A_10] : memref<1000x1xf32, #tpu.memory_space<vmem>>, vector<1000x1xf32>
    %get3A_12 = arith.constant 0 : index
    %get3A_13 = arith.constant 0 : index
    %get3A_14 = vector.load %arg2[%get3A_12, %get3A_13] : memref<1000x128xf32, #tpu.memory_space<vmem>>, vector<1000x128xf32>
    %mul3A = vector.broadcast %get3A_11 : vector<1000x1xf32> to vector<1000x128xf32>
    %mul3A_15 = arith.mulf %mul3A, %get3A_14 : vector<1000x128xf32>
    %add3A_16 = arith.addf %add3A, %mul3A_15 : vector<1000x128xf32>
    %get3A_17 = arith.constant 0 : index
    %get3A_18 = arith.constant 0 : index
    %get3A_19 = vector.load %arg5[%get3A_17, %get3A_18] : memref<128x128xf32, #tpu.memory_space<vmem>>, vector<128x128xf32>
    %dot_general3A = arith.constant dense<0.000000e+00> : vector<1000x128xf32>
    %dot_general3A_20 = tpu.matmul %add3A_16, %get3A_19, %dot_general3A {dimension_numbers = #tpu.dot_dimension_numbers<[1], [0], [0], [1], [0, 0, 1, 1], [], []>, transpose_lhs_hint = false} : vector<1000x128xf32>, vector<128x128xf32>, vector<1000x128xf32> -> vector<1000x128xf32>
    %get3A_21 = arith.constant 0 : index
    %get3A_22 = vector.load %arg6[%get3A_21] : memref<128xf32, #tpu.memory_space<vmem>>, vector<128xf32>
    %broadcast_in_dim3A = vector.shape_cast %get3A_22 : vector<128xf32> to vector<1x128xf32>
    %add3A_23 = vector.broadcast %broadcast_in_dim3A : vector<1x128xf32> to vector<1000x128xf32>
    %add3A_24 = arith.addf %dot_general3A_20, %add3A_23 : vector<1000x128xf32>
    %max3A = arith.constant 0.000000e+00 : f32
    %max3A_25 = vector.broadcast %max3A : f32 to vector<1000x128xf32>
    %max3A_26 = arith.maximumf %add3A_24, %max3A_25 : vector<1000x128xf32>
    %swap3A = arith.constant 0 : index
    %swap3A_27 = arith.constant 0 : index
    %swap3A_28 = vector.load %arg7[%swap3A, %swap3A_27] : memref<1000x128xf32, #tpu.memory_space<vmem>>, vector<1000x128xf32>
    tpu.vector_store %arg7[%swap3A, %swap3A_27], %max3A_26 {strides = array<i32>} : memref<1000x128xf32, #tpu.memory_space<vmem>>, vector<1000x128xf32>,
    %get3A_29 = arith.constant 0 : index
    %get3A_30 = arith.constant 0 : index
    %get3A_31 = vector.load %arg4[%get3A_29, %get3A_30] : memref<1000x1xf32, #tpu.memory_space<vmem>>, vector<1000x1xf32>
    %mul3A_32 = vector.broadcast %get3A_31 : vector<1000x1xf32> to vector<1000x128xf32>
    %mul3A_33 = arith.mulf %mul3A_32, %max3A_26 : vector<1000x128xf32>
    %swap3A_34 = arith.constant 0 : index
    %swap3A_35 = arith.constant 0 : index
    %swap3A_36 = vector.load %arg8[%swap3A_34, %swap3A_35] : memref<1000x128xf32, #tpu.memory_space<vmem>>, vector<1000x128xf32>
    tpu.vector_store %arg8[%swap3A_34, %swap3A_35], %mul3A_33 {strides = array<i32>} : memref<1000x128xf32, #tpu.memory_space<vmem>>, vector<1000x128xf32>,
    return
  }
  func.func @transform_0(%arg0: i32) -> (i32, i32, i32) {
    %c0_i32 = arith.constant 0 : i32
    %c0_i32_0 = arith.constant 0 : i32
    %c0_i32_1 = arith.constant 0 : i32
    return %c0_i32, %arg0, %c0_i32_0 : i32, i32, i32
  }
  func.func @transform_1(%arg0: i32) -> (i32, i32) {
    %c0_i32 = arith.constant 0 : i32
    %c0_i32_0 = arith.constant 0 : i32
    return %arg0, %c0_i32 : i32, i32
  }
  func.func @transform_2(%arg0: i32) -> (i32, i32) {
    %c0_i32 = arith.constant 0 : i32
    %c0_i32_0 = arith.constant 0 : i32
    return %arg0, %c0_i32 : i32, i32
  }
  func.func @transform_3(%arg0: i32) -> (i32, i32) {
    %c0_i32 = arith.constant 0 : i32
    %c0_i32_0 = arith.constant 0 : i32
    return %arg0, %c0_i32 : i32, i32
  }
  func.func @transform_4(%arg0: i32) -> (i32, i32) {
    %c0_i32 = arith.constant 0 : i32
    %c0_i32_0 = arith.constant 0 : i32
    %c0_i32_1 = arith.constant 0 : i32
    return %c0_i32, %c0_i32_0 : i32, i32
  }
  func.func @transform_5(%arg0: i32) -> i32 {
    %c0_i32 = arith.constant 0 : i32
    %c0_i32_0 = arith.constant 0 : i32
    return %c0_i32 : i32
  }
  func.func @transform_6(%arg0: i32) -> (i32, i32) {
    %c0_i32 = arith.constant 0 : i32
    %c0_i32_0 = arith.constant 0 : i32
    return %arg0, %c0_i32 : i32, i32
  }
  func.func @transform_7(%arg0: i32) -> (i32, i32) {
    %c0_i32 = arith.constant 0 : i32
    %c0_i32_0 = arith.constant 0 : i32
    return %arg0, %c0_i32 : i32, i32
  }
}

module attributes {stable_mosaic.version = 14 : i64} {
  func.func @_layer2_body(%arg0: i32, %arg1: memref<2x1000x128xf32, #tpu.memory_space<vmem>>, %arg2: memref<1000x128xf32, #tpu.memory_space<vmem>>, %arg3: memref<1000x1xf32, #tpu.memory_space<vmem>>, %arg4: memref<128x128xf32, #tpu.memory_space<vmem>>, %arg5: memref<128xf32, #tpu.memory_space<vmem>>, %arg6: memref<1000x128xf32, #tpu.memory_space<vmem>>) attributes {dimension_semantics = [#tpu.dimension_semantics<arbitrary>], iteration_bounds = array<i64: 10>, scalar_prefetch = 0 : i64, scratch_operands = 0 : i64, tpu.core_type = #tpu.core_type<tc>, window_params = [{transform_indices = @transform_0, window_bounds = array<i64: 2, 1000, 128>}, {transform_indices = @transform_1, window_bounds = array<i64: 1000, 128>}, {transform_indices = @transform_2, window_bounds = array<i64: 1000, 1>}, {pipeline_mode = #tpu.pipeline_mode<synchronous>, transform_indices = @transform_3, window_bounds = array<i64: 128, 128>}, {pipeline_mode = #tpu.pipeline_mode<synchronous>, transform_indices = @transform_4, window_bounds = array<i64: 128>}, {transform_indices = @transform_5, window_bounds = array<i64: 1000, 128>}]} {
    %get3A = arith.constant 0 : index
    %get3A_0 = arith.constant 0 : index
    %get3A_1 = arith.constant 0 : index
    %get3A_2 = vector.load %arg1[%get3A, %get3A_0, %get3A_1] : memref<2x1000x128xf32, #tpu.memory_space<vmem>>, vector<1x1000x128xf32>
    %get3A_3 = vector.shape_cast %get3A_2 : vector<1x1000x128xf32> to vector<1000x128xf32>
    %get3A_4 = arith.constant 1 : index
    %get3A_5 = arith.constant 0 : index
    %get3A_6 = arith.constant 0 : index
    %get3A_7 = vector.load %arg1[%get3A_4, %get3A_5, %get3A_6] : memref<2x1000x128xf32, #tpu.memory_space<vmem>>, vector<1x1000x128xf32>
    %get3A_8 = vector.shape_cast %get3A_7 : vector<1x1000x128xf32> to vector<1000x128xf32>
    %add3A = arith.addf %get3A_3, %get3A_8 : vector<1000x128xf32>
    %get3A_9 = arith.constant 0 : index
    %get3A_10 = arith.constant 0 : index
    %get3A_11 = vector.load %arg3[%get3A_9, %get3A_10] : memref<1000x1xf32, #tpu.memory_space<vmem>>, vector<1000x1xf32>
    %get3A_12 = arith.constant 0 : index
    %get3A_13 = arith.constant 0 : index
    %get3A_14 = vector.load %arg2[%get3A_12, %get3A_13] : memref<1000x128xf32, #tpu.memory_space<vmem>>, vector<1000x128xf32>
    %mul3A = vector.broadcast %get3A_11 : vector<1000x1xf32> to vector<1000x128xf32>
    %mul3A_15 = arith.mulf %mul3A, %get3A_14 : vector<1000x128xf32>
    %add3A_16 = arith.addf %add3A, %mul3A_15 : vector<1000x128xf32>
    %get3A_17 = arith.constant 0 : index
    %get3A_18 = arith.constant 0 : index
    %get3A_19 = vector.load %arg4[%get3A_17, %get3A_18] : memref<128x128xf32, #tpu.memory_space<vmem>>, vector<128x128xf32>
    %dot_general3A = arith.constant dense<0.000000e+00> : vector<1000x128xf32>
    %dot_general3A_20 = tpu.matmul %add3A_16, %get3A_19, %dot_general3A {dimension_numbers = #tpu.dot_dimension_numbers<[1], [0], [0], [1], [0, 0, 1, 1], [], []>, transpose_lhs_hint = false} : vector<1000x128xf32>, vector<128x128xf32>, vector<1000x128xf32> -> vector<1000x128xf32>
    %get3A_21 = arith.constant 0 : index
    %get3A_22 = vector.load %arg5[%get3A_21] : memref<128xf32, #tpu.memory_space<vmem>>, vector<128xf32>
    %broadcast_in_dim3A = vector.shape_cast %get3A_22 : vector<128xf32> to vector<1x128xf32>
    %add3A_23 = vector.broadcast %broadcast_in_dim3A : vector<1x128xf32> to vector<1000x128xf32>
    %add3A_24 = arith.addf %dot_general3A_20, %add3A_23 : vector<1000x128xf32>
    %reduce_max3A = arith.constant dense<0xFF800000> : vector<1000xf32>
    %reduce_max3A_25 = vector.multi_reduction <maximumf>, %add3A_24, %reduce_max3A [1] : vector<1000x128xf32> to vector<1000xf32>
    %broadcast_in_dim3A_26 = vector.shape_cast %reduce_max3A_25 : vector<1000xf32> to vector<1000x1xf32>
    %sub3A = vector.broadcast %broadcast_in_dim3A_26 : vector<1000x1xf32> to vector<1000x128xf32>
    %sub3A_27 = arith.subf %add3A_24, %sub3A : vector<1000x128xf32>
    %exp3A = math.exp %sub3A_27 : vector<1000x128xf32>
    %sub3A_28 = vector.broadcast %broadcast_in_dim3A_26 : vector<1000x1xf32> to vector<1000x128xf32>
    %sub3A_29 = arith.subf %add3A_24, %sub3A_28 : vector<1000x128xf32>
    %reduce_sum3A = arith.constant dense<0.000000e+00> : vector<1000xf32>
    %reduce_sum3A_30 = vector.multi_reduction <add>, %exp3A, %reduce_sum3A [1] : vector<1000x128xf32> to vector<1000xf32>
    %broadcast_in_dim3A_31 = vector.shape_cast %reduce_sum3A_30 : vector<1000xf32> to vector<1000x1xf32>
    %log3A = math.log %broadcast_in_dim3A_31 : vector<1000x1xf32>
    %sub3A_32 = vector.broadcast %log3A : vector<1000x1xf32> to vector<1000x128xf32>
    %sub3A_33 = arith.subf %sub3A_29, %sub3A_32 : vector<1000x128xf32>
    %swap3A = arith.constant 0 : index
    %swap3A_34 = arith.constant 0 : index
    %swap3A_35 = vector.load %arg6[%swap3A, %swap3A_34] : memref<1000x128xf32, #tpu.memory_space<vmem>>, vector<1000x128xf32>
    tpu.vector_store %arg6[%swap3A, %swap3A_34], %sub3A_33 {strides = array<i32>} : memref<1000x128xf32, #tpu.memory_space<vmem>>, vector<1000x128xf32>,
    return
  }
  func.func @transform_0(%arg0: i32) -> (i32, i32, i32) {
    %c0_i32 = arith.constant 0 : i32
    %c0_i32_0 = arith.constant 0 : i32
    %c0_i32_1 = arith.constant 0 : i32
    return %c0_i32, %arg0, %c0_i32_0 : i32, i32, i32
  }
  func.func @transform_1(%arg0: i32) -> (i32, i32) {
    %c0_i32 = arith.constant 0 : i32
    %c0_i32_0 = arith.constant 0 : i32
    return %arg0, %c0_i32 : i32, i32
  }
  func.func @transform_2(%arg0: i32) -> (i32, i32) {
    %c0_i32 = arith.constant 0 : i32
    %c0_i32_0 = arith.constant 0 : i32
    return %arg0, %c0_i32 : i32, i32
  }
  func.func @transform_3(%arg0: i32) -> (i32, i32) {
    %c0_i32 = arith.constant 0 : i32
    %c0_i32_0 = arith.constant 0 : i32
    %c0_i32_1 = arith.constant 0 : i32
    return %c0_i32, %c0_i32_0 : i32, i32
  }
  func.func @transform_4(%arg0: i32) -> i32 {
    %c0_i32 = arith.constant 0 : i32
    %c0_i32_0 = arith.constant 0 : i32
    return %c0_i32 : i32
  }
  func.func @transform_5(%arg0: i32) -> (i32, i32) {
    %c0_i32 = arith.constant 0 : i32
    %c0_i32_0 = arith.constant 0 : i32
    return %arg0, %c0_i32 : i32, i32
  }
}

</mosaic_0001>

<sc_bundles>
// kernel: kernel.11.cloned.1.call-start
scs
__scs_entry_jumppad:
0x0: {  	(pc) =	sbr.rel $0x88, $3  }
0x1: {  	(tag) =	ssettag $0x0;
	lr =	simm.s32 $0x1  }
0x2: {  	[smem:$0x3F9B] =	sst lr;
	_ =	strace $0xD0000000  }
0x3: {  	_ = 	snop  }
0x4: {  	_ = 	snop  }
0x5: {  	_ = 	snop  }
0x6: {  	_ = 	snop  }
0x7: {  	_ = 	snop  }
__scs_overlays_trampoline_lowered:
0x8: {  	[smem:$0x3FAA] =	sst s0  }
0x9: {  	[smem:$0x3FAB] =	sst s1  }
0xa: {  	[smem:$0x3FAC] =	sst s2  }
0xb: {  	[smem:$0x3FAD] =	sst s3  }
0xc: {  	[smem:$0x3FAE] =	sst s4  }
0xd: {  	[smem:$0x3FAF] =	sst s5  }
0xe: {  	[smem:$0x3FB0] =	sst s6  }
0xf: {  	[smem:$0x3FB1] =	sst s7  }
0x10: {  	[smem:$0x3FB2] =	sst s8  }
0x11: {  	[smem:$0x3FB3] =	sst s9;
	s0 =	simm.s32 @!p0 $0x0  }
0x12: {  	s1 =	sld [smem:$0x3F99];
	s0 =	simm.s32 @p0 $0x1  }
0x13: {  	[smem:$0x3FB4] =	sst s0;
	s0 =	simm.s32 @!p1 $0x0  }
0x14: {  	s2 =	sld [smem:$0x3F98];
	s0 =	simm.s32 @p1 $0x1  }
0x15: {  	[smem:$0x3FB5] =	sst s0;
	s0 =	simm.s32 @!p2 $0x0  }
0x16: {  	s3 =	sld [smem:$0x3FDB];
	s0 =	simm.s32 @p2 $0x1  }
0x17: {  	s4 =	simm.s32 $0x1BF5;
	[smem:$0x3FB7] =	sst s0  }
0x18: {  	s0 =	sld [smem:$0x3F9A];
	_ =	swait.ge [sflag:s4], $0x0  }
0x19: {  	s7 =	sld [smem:$0x3F9B]  }
0x1a: {  	s8 =	sadd.s32 $0xFFFFE003, lr  }
0x1b: {  	s9 =	sadd.s32 $0xFFFFFEF7, lr;
	s5 =	simm.s32 $0xFFFFFFFF;
	p2 =	slt.u32 s8, $0xFFFFF086  }
0x1c: {  	p1 =	slt.u32 s9, $0xF7A;
	s5 =	simm.s32 @!p2 $0x0  }
0x1d: {  	s5 =	simm.s32 @p1 $0x1;
	p0 =	seq.s32 s7, s2  }
0x1e: {  	s7 =	smul.u32 @!p0 $0xF7A, s2;
	p2 =	seq.s32 @!p0 s5, $0x0  }
0x1f: {  	s9 =	smul.u32 $0xF7A, s1;
	s8 =	simm.s32 @!p0 $0x1BF5;
	p2 =	por !p2, p0  }
0x20: {  	[sflag:s8] =	ssyncset.s32 @!p0 $0xFFFFF086;
	s6 =	sadd.s32 @!p0 s3, s7;
	s7 =	simm.s32 @!p0 $0x108  }
0x21: {  	s3 =	sadd.s32 s3, s9;
	s6 =	sadd.s32 @!p0 $0x88, s6;
	s7 =	simm.s32 @p2 $0x1082  }
0x22: {  	[simem:s7], [sflag:s8] =	dma.local @!p0 [hbm:s6], $0xF7A  }
0x23: {  	s9 =	sor.u32 $0xD0000000, s2;
	s6 =	simm.s32 $0x108;
	_ =	swait.ge @!p0 [sflag:s8], $0x0  }
0x24: {  	s3 =	sadd.s32 $0x88, s3;
	s6 =	simm.s32 @!p1 $0x1082;
	[sflag:s4] =	ssyncset.s32 $0xFFFFF086  }
0x25: {  	[simem:s6], [sflag:s4] =	dma.local [hbm:s3], $0xF7A  }
0x26: {  	[smem:$0x3F9B] =	sst s1;
	(tag) =	ssettag s2;
	_ =	strace s9  }
0x27: {  	s1 =	sld [smem:$0x3FAB]  }
0x28: {  	s2 =	sld [smem:$0x3FAC]  }
0x29: {  	s4 =	sld [smem:$0x3FAE]  }
0x2a: {  	p0 =	seq.s32 s5, $0x0;
	s5 =	sld [smem:$0x3FAF]  }
0x2b: {  	s6 =	sld [smem:$0x3FB0]  }
0x2c: {  	s7 =	sld [smem:$0x3FB1]  }
0x2d: {  	s3 =	simm.s32 $0x108;
	s8 =	sld [smem:$0x3FB2]  }
0x2e: {  	s3 =	simm.s32 @!p0 $0x1082;
	s9 =	sld [smem:$0x3FB3]  }
0x2f: {  	lr =	sadd.s32 s0, s3;
	s0 =	sld [smem:$0x3FAA]  }
0x30: {  	s3 =	sld [smem:$0x3FAD]  }
0x31: {  	[smem:$0x3FB6] =	sst s10  }
0x32: {  	s10 =	sld [smem:$0x3FB4];
	_ =	sdelay $0x3  }
0x33: {  	p0 =	seq.s32 s10, $0x1;
	s10 =	sld [smem:$0x3FB6];
	_ =	sdelay $0x3  }
0x34: {  	[smem:$0x3FB6] =	sst s10  }
0x35: {  	s10 =	sld [smem:$0x3FB5];
	_ =	sdelay $0x3  }
0x36: {  	p1 =	seq.s32 s10, $0x1;
	s10 =	sld [smem:$0x3FB6];
	_ =	sdelay $0x3  }
0x37: {  	[smem:$0x3FB6] =	sst s10  }
0x38: {  	s10 =	sld [smem:$0x3FB7]  }
0x39: {  	_ = 	snop;
	(pc) =	sbr.ind lr, $3  }
0x3a: {  	_ = 	snop  }
0x3b: {  	_ = 	snop  }
0x3c: {  	p2 =	seq.s32 s10, $0x1;
	s10 =	sld [smem:$0x3FB6]  }
0x3d: {  	_ =	shalt  }
0x3e: {  	_ =	shalt  }
0x3f: {  	_ =	shalt  }
0x40: {  	_ =	shalt  }
0x41: {  	_ =	shalt  }
0x42: {  	_ =	shalt  }
0x43: {  	_ =	shalt  }
0x44: {  	_ =	shalt  }
0x45: {  	_ =	shalt  }
0x46: {  	_ =	shalt  }
0x47: {  	_ =	shalt  }
0x48: {  	_ =	shalt  }
0x49: {  	_ =	shalt  }
0x4a: {  	_ =	shalt  }
0x4b: {  	_ =	shalt  }
0x4c: {  	_ =	shalt  }
0x4d: {  	_ =	shalt  }
0x4e: {  	_ =	shalt  }
0x4f: {  	_ =	shalt  }
0x50: {  	_ =	shalt  }
0x51: {  	_ =	shalt  }
0x52: {  	_ =	shalt  }
0x53: {  	_ =	shalt  }
0x54: {  	_ =	shalt  }
0x55: {  	_ =	shalt  }
0x56: {  	_ =	shalt  }
0x57: {  	_ =	shalt  }
0x58: {  	_ =	shalt  }
0x59: {  	_ =	shalt  }
0x5a: {  	_ =	shalt  }
0x5b: {  	_ =	shalt  }
0x5c: {  	_ =	shalt  }
0x5d: {  	_ =	shalt  }
0x5e: {  	_ =	shalt  }
0x5f: {  	_ =	shalt  }
0x60: {  	_ =	shalt  }
0x61: {  	_ =	shalt  }
0x62: {  	_ =	shalt  }
0x63: {  	_ =	shalt  }
0x64: {  	_ =	shalt  }
0x65: {  	_ =	shalt  }
0x66: {  	_ =	shalt  }
0x67: {  	_ =	shalt  }
0x68: {  	_ =	shalt  }
0x69: {  	_ =	shalt  }
0x6a: {  	_ =	shalt  }
0x6b: {  	_ =	shalt  }
0x6c: {  	_ =	shalt  }
0x6d: {  	_ =	shalt  }
0x6e: {  	_ =	shalt  }
0x6f: {  	_ =	shalt  }
0x70: {  	_ =	shalt  }
0x71: {  	_ =	shalt  }
0x72: {  	_ =	shalt  }
0x73: {  	_ =	shalt  }
0x74: {  	_ =	shalt  }
0x75: {  	_ =	shalt  }
0x76: {  	_ =	shalt  }
0x77: {  	_ =	shalt  }
0x78: {  	_ =	shalt  }
0x79: {  	_ =	shalt  }
0x7a: {  	_ =	shalt  }
0x7b: {  	_ =	shalt  }
0x7c: {  	_ =	shalt  }
0x7d: {  	_ =	shalt  }
0x7e: {  	_ =	shalt  }
0x7f: {  	_ =	shalt  }
0x80: {  	_ =	shalt  }
0x81: {  	_ =	shalt  }
0x82: {  	_ =	shalt  }
0x83: {  	_ =	shalt  }
0x84: {  	_ =	shalt  }
0x85: {  	_ =	shalt  }
0x86: {  	_ =	shalt  }
0x87: {  	_ =	shalt  }
.Lfunc_end0:
.L_simem_size_0:
called_computation.1_lowered:
.L_overlay_start_0:
0x88: {  	s2 =	sld [smem:$0x3FD9]  }
0x89: {  	s3 =	sld [smem:$0x3FFE];
	_ =	sdelay $0x1  }
0x8a: {  	s1 =	srdreg.scid  }
0x8b: {  	s0 =	sand.u32 $0x1, s1  }
0x8c: {  	s17 =	sshll.u32 s0, $0xA;
	s2 =	sadd.s32 s3, s2  }
0x8d: {  	s2 =	sadd.s32 s2, s17  }
0x8e: {  	[smem:$0x3FC2] =	sst s2  }
0x8f: {  	_ = 	snop  }
0x90: {  	s2 =	sld [smem:$0x3FD0];
	(tm) =	ssettm $0x1  }
0x91: {  	s18 =	sld [smem:$0x3FFB];
	_ =	sdelay $0x3  }
0x92: {  	_ =	strace s18  }
0x93: {  	s3 =	sld [smem:$0x3FFC];
	_ =	sdelay $0x3  }
0x94: {  	_ =	strace s3  }
0x95: {  	s3 =	sld [smem:$0x3FFD];
	_ =	sdelay $0x3  }
0x96: {  	_ =	strace s3  }
0x97: {  	_ =	strace $0x8FFFFFFF  }
0x98: {  	s19 =	sld [smem:$0x3FDB];
	_ =	sdelay $0x1  }
0x99: {  	s4 =	simm.s32 $_scs_section_size  }
0x9a: {  	s5 =	simm.s32 $_size__tile_overlayer_lowered;
	s6 =	simm.s32 $_tile_overlayer_lowered  }
0x9b: {  	s22 =	simm.s32 $0x1BFF;
	s21 =	sshll.u32 s6, $0x1;
	s3 =	sadd.s32 s4, s19  }
0x9c: {  	s7 =	simm.s32 $0x0;
	s20 =	sshll.u32 s5, $0x1;
	s5 =	sadd.s32 s21, s3  }
0x9d: {  	[timem:s7], [sflag:s22] =	dma.local [hbm:s5], s20  }
0x9e: {  	_ =	swait.ge [sflag:s22], s20  }
0x9f: {  	s4 =	ssub.s32 $0x0, s20;
	[sflag:s22] =	ssyncset.done $0x0  }
0xa0: {  	[sflag:s22] =	ssyncadd.s32 s4;
	_ =	sdelay $0x1  }
0xa1: {  	s23 =	simm.s32 $0x1B8B  }
0xa2: {  	_ =	swait.ge [sflag:s23], $0x1  }
0xa3: {  	[sflag:s23] =	ssyncset.done $0x0  }
0xa4: {  	s25 =	simm.s32 $0x1B8E;
	s24 =	sld [smem:$0x3FFE];
	[sflag:s23] =	ssyncadd.s32 $0xFFFFFFFF  }
0xa5: {  	s26 =	simm.s32 $execute0_lowered;
	[smem:$0x3FD2] =	sst s25  }
0xa6: {  	s5 =	sshll.u32 s26, $0x1;
	_ =	strace $0x80000049;
	[dreg:$0x1] =	wrdreg $0xFFFFFFFF  }
0xa7: {  	s28 =	simm.s32 $_size_execute0_lowered;
	s3 =	sadd.s32 s3, s5;
	[dreg:$0x0] =	wrdreg $0x0  }
0xa8: {  	s5 =	sshll.u32 s28, $0x1;
	[dreg:$0x2] =	wrdreg s3  }
0xa9: {  	[dreg:$0x3] =	wrdreg s5  }
0xaa: {  	[dreg:$0x4] =	wrdreg $0xC0  }
0xab: {  	_ =	task [dreg:s7], $0x5FFFF  }
0xac: {  	[dreg:$0x1] =	wrdreg $0xFFFFFFFF  }
0xad: {  	[dreg:$0x0] =	wrdreg $0x60  }
0xae: {  	[dreg:$0x2] =	wrdreg s2  }
0xaf: {  	[dreg:$0x3] =	wrdreg s24  }
0xb0: {  	[dreg:$0x4] =	wrdreg $0xA1000  }
0xb1: {  	[dreg:$0x5] =	wrdreg $0x9  }
0xb2: {  	_ =	task.clear_ibuf [dreg:s7], $0x6FFFF;
	_ =	strace $0x90000049  }
0xb3: {  	s29 =	simm.s32 $0x9;
	_ =	strace $0x8000004B  }
0xb4: {  	_ =	swait.ge [sflag:s29], $0x1  }
0xb5: {  	[sflag:s29] =	ssyncadd.s32 $0xFFFFFFFF  }
0xb6: {  	_ =	strace $0x9000004B  }
0xb7: {  	_ =	sfence  }
0xb8: {  	s30 =	sld [smem:$0x0];
	_ =	sdelay $0x2  }
0xb9: {  	s31 =	sshll.u32 s1, $0xD;
	s1 =	sshrl.u32 s1, $0x2  }
0xba: {  	s3 =	sand.u32 $0x4000, s31;
	s1 =	sadd.s32 s1, s30  }
0xbb: {  	s0 =	sor.u32 s3, s0;
	s1 =	sshll.u32 s1, $0x11  }
0xbc: {  	s0 =	sor.u32 s1, s0  }
0xbd: {  	s0 =	sadd.s32 $0x8F2B, s0  }
0xbe: {  	[sflag:s0] =	ssyncadd.remote.s32 $0x1  }
0xbf: {  	_ =	sfence.sel $0xFFFF  }
0xc0: {  	[dreg:$0x0] =	wrdreg $0xFFFFFFFF;
	(pc) =	sbr.abs _section_cstart, $3  }
0xc1: {  	[dreg:$0x1] =	wrdreg $0xFFFFFFFF  }
0xc2: {  	_ =	task.clear_ibuf [dreg:s7], $0x2FFFF;
	_ =	strace $0x9FFFFFFF  }
0xc3: {  	(tm) =	ssettm $0x7FFFFFFF  }
tec
execute0_lowered:
.L_overlay_start_1:
0x0: {  	(tag) =	ssettag $0x1  }
0x1: {  	s0 =	srdreg.scid;
	s1 =	rddreg [dreg:$0x0]  }
0x2: {  	s2 =	rddreg [dreg:$0x1];
	s13 =	stileid.u32  }
0x3: {  	s3 =	rddreg [dreg:$0x2];
	s15 =	simm.s32 $0xA;
	s16 =	simm.s32 $0x2780  }
0x4: {  	s17 =	simm.s32 $0x2800;
	s18 =	simm.s32 $0x50;
	s19 =	simm.s32 $0x2900  }
0x5: {  	s20 =	simm.s32 $0x5100;
	s28 =	simm.s32 $0x8;
	s29 =	simm.s32 $0x5  }
0x6: {  	s30 =	simm.s32 $0x3;
	s31 =	simm.s32 $0x9;
	s7 =	smul.u32 $0x14000, s13  }
0x7: {  	s0 =	sand.u32 $0x1, s0;
	s6 =	sadd.s32 $0xC600, s2;
	s21 =	smul.u32 $0x50000, s13  }
0x8: {  	s24 =	sshll.u32 s13, $0x6;
	s4 =	sshll.u32 s0, $0x4;
	s8 =	smul.u32 $0x140000, s0  }
0x9: {  	s0 =	ssub.s32 $0x2, s0;
	s5 =	sor.u32 s13, s4;
	s4 =	simm.s32 $0x0  }
0xa: {  	s11 =	sshrl.u32 s7, $0x3;
	s12 =	sshrl.u32 s0, $0x1;
	s22 =	sshrl.u32 s21, $0x2  }
0xb: {  	s21 =	simm.s32 $0x2880;
	s5 =	smul.u32 $0x2710, s5;
	[smem:$0x7FF] =	sst s4  }
0xc: {  	s7 =	sadd.s32 s7, s8;
	s11 =	sadd.s32 s11, s2;
	s0 =	ssub.s32 s0, s12  }
0xd: {  	s14 =	sadd.s32 s22, s3;
	s8 =	sor.u32 $0x1C0A, s24;
	s22 =	simm.s32 $0x7900  }
0xe: {  	s24 =	simm.s32 $0x7;
	_ =	strace $0x8000004A;
	s7 =	sshrl.u32 s7, $0x3  }
0xf: {  	s23 =	sadd.s32 $0x3D600, s11;
	s13 =	smax.u32 s0, $0x1;
	s14 =	sshrl.u32 s14, $0x3  }
.Ltmp0:
0x10: {  	s10 =	sshrl.u32 s5, $0x3;
	[dreg:$0x4] =	wrdreg s23;
	(pc) =	sbr.rel .LBB2_1-.Ltmp0, $4  }
0x11: {  	s23 =	simm.s32 $0x1;
	s9 =	sadd.s32 s10, s2;
	s10 =	sadd.s32 s6, s10  }
0x12: {  	s2 =	sadd.s32 s7, s2;
	s25 =	sadd.s32 $0x2800, s9;
	s26 =	sadd.s32 $0xA, s10  }
0x13: {  	s12 =	sadd.s32 $0x65600, s2;
	s2 =	simm.s32 $0x0;
	[dreg:$0x5] =	wrdreg s25  }
0x14: {  	[dreg:$0x6] =	wrdreg s26;
	s25 =	simm.s32 $0x4;
	s26 =	simm.s32 $0x2  }
.LBB2_4:
0x15: {  	_ =	swait.ge [sflag:s24], $0x50  }
0x16: {  	[sflag:s24] =	ssyncset.done $0x0  }
0x17: {  	[sflag:s24] =	ssyncadd.s32 $0xFFFFFFB0  }
0x18: {  	_ =	swait.ge [sflag:s28], $0x50  }
0x19: {  	[sflag:s28] =	ssyncset.done $0x0  }
0x1a: {  	[sflag:s28] =	ssyncadd.s32 $0xFFFFFFB0  }
0x1b: {  	_ =	swait.ge [sflag:s23], $0x2800  }
0x1c: {  	[sflag:s23] =	ssyncset.done $0x0  }
0x1d: {  	[sflag:s23] =	ssyncadd.s32 $0xFFFFD800  }
0x1e: {  	_ =	swait.ge [sflag:s26], $0x2800  }
0x1f: {  	s2 =	sadd.s32 $0x1, s2;
	[sflag:s26] =	ssyncset.done $0x0  }
0x20: {  	p0 =	sne.s32 s2, s13;
	[sflag:s26] =	ssyncadd.s32 $0xFFFFD800  }
.Ltmp1:
0x21: {  	[bflag:$0x0] =	sbarrier.arrive $0xFFFF;
	(pc) =	sbr.rel @!p0 .LBB2_5-.Ltmp1, $4  }
0x22: {  	[hbm:s12], [sflag:s8] =	dma.local [spmem:s14], $0x2800  }
0x23: {  	_ =	swait.ge [sflag:s15], $0x2800  }
0x24: {  	[sflag:s15] =	ssyncset.done $0x0  }
0x25: {  	[sflag:s15] =	ssyncadd.s32 $0xFFFFD800  }
.LBB2_1:
0x26: {  	s0 =	rddreg [dreg:$0x4]  }
0x27: {  	[spmem:s14], [sflag:s8] =	dma.local [hbm:s0], $0x2800  }
0x28: {  	_ =	swait.ge [sflag:s15], $0x2800  }
0x29: {  	[sflag:s15] =	ssyncset.done $0x0  }
0x2a: {  	s9 =	rddreg [dreg:$0x5];
	[sflag:s15] =	ssyncadd.s32 $0xFFFFD800  }
0x2b: {  	[tilespmem:s4], [sflag:$0xA] =	stream.linear.gather [hbm4b:s9+s4], $0x2710, $0x38;
	[tilespmem:$0x1E100] =	vst v63  }
0x2c: {  	_ =	swait.ge [sflag:s15], $0x2710  }
0x2d: {  	[sflag:s15] =	ssyncset.done $0x0  }
0x2e: {  	[sflag:s15] =	ssyncadd.s32 $0xFFFFD8F0  }
0x2f: {  	[bflag:$0x0] =	sbarrier.arrive $0xFFFF  }
0x30: {  	[tilespmem:s16], [sflag:$0x7] =	stream.linear.gather [hbm4b:s10+s4], $0x50, $0x38;
	[tilespmem:$0x1E100] =	vst v63  }
0x31: {  	s11 =	rddreg [dreg:$0x6]  }
0x32: {  	[tilespmem:s17], [sflag:$0x8] =	stream.linear.gather [hbm4b:s11+s4], $0x50, $0x38;
	[tilespmem:$0x1E100] =	vst v63  }
0x33: {  	_ = 	snop  }
0x34: {  	[tilespmem:s19], [sflag:$0x1] =	stream.indirect.gather [hbm4b:s1+s18], $0x80, s4, s18, $0xb8;
	[tilespmem:$0x1E100] =	vst v63  }
0x35: {  	s0 =	simm.s32 $0x0  }
0x36: {  	[tilespmem:s20], [sflag:$0x2] =	stream.indirect.gather [hbm4b:s1+s18], $0x80, s18, s18, $0xb8;
	[tilespmem:$0x1E100] =	vst v63  }
.LBB2_2:
0x37: {  	s7 =	smin.u32 s0, $0x7A  }
0x38: {  	s9 =	sadd.s32 $0xFFFFFFFF, s0;
	s7 =	smul.u32 $0x50, s7  }
0x39: {  	p0 =	sgt.u32 s9, $0x7C  }
0x3a: {  	s9 =	simm.s32 @!p0 $0x6;
	s7 =	sadd.s32 $0xA0, s7  }
0x3b: {  	_ =	swait.ge @!p0 [sflag:s9], $0x2800;
	s11 =	sadd.s32 s5, s7  }
0x3c: {  	[sflag:s9] =	ssyncset.done @!p0 $0x0;
	s11 =	sshrl.u32 s11, $0x3  }
0x3d: {  	[sflag:s9] =	ssyncadd.s32 @!p0 $0xFFFFD800;
	s11 =	sadd.s32 s6, s11  }
0x3e: {  	[tilespmem:s21], [sflag:$0x9] =	stream.linear.gather [hbm4b:s11+s4], $0x50, $0x38;
	[tilespmem:$0x1E100] =	vst v63  }
0x3f: {  	_ = 	snop  }
0x40: {  	[tilespmem:s22], [sflag:$0x3] =	stream.indirect.gather [hbm4b:s1+s18], $0x80, s7, s18, $0xb8;
	[tilespmem:$0x1E100] =	vst v63  }
0x41: {  	_ =	swait.ge [sflag:s23], $0x2800  }
0x42: {  	[sflag:s23] =	ssyncset.done $0x0  }
0x43: {  	s9 =	smin.u32 s0, $0x79;
	[sflag:s23] =	ssyncadd.s32 $0xFFFFD800  }
0x44: {  	s7 =	smul.u32 $0x50, s9;
	_ =	swait.ge [sflag:s24], $0x50  }
0x45: {  	[sflag:s24] =	ssyncset.done $0x0  }
0x46: {  	s7 =	sadd.s32 $0xF0, s7;
	[sflag:s24] =	ssyncadd.s32 $0xFFFFFFB0  }
0x47: {  	[spmem:s3] =	stream.indirect.scatter.add.f32 [tilespmem:s19], [sflag:$0x4], $0x80, s16, s18, $0xb8;
	[tilespmem:$0x1E100] =	vst v63  }
0x48: {  	s11 =	sadd.s32 s5, s7;
	_ =	swait.ge [sflag:s25], $0x2800  }
0x49: {  	s9 =	sshrl.u32 s11, $0x3;
	[sflag:s25] =	ssyncset.done $0x0  }
0x4a: {  	s9 =	sadd.s32 s6, s9;
	[sflag:s25] =	ssyncadd.s32 $0xFFFFD800  }
0x4b: {  	[tilespmem:s16], [sflag:$0x7] =	stream.linear.gather [hbm4b:s9+s4], $0x50, $0x38;
	[tilespmem:$0x1E100] =	vst v63  }
0x4c: {  	_ = 	snop  }
0x4d: {  	[tilespmem:s19], [sflag:$0x1] =	stream.indirect.gather [hbm4b:s1+s18], $0x80, s7, s18, $0xb8;
	[tilespmem:$0x1E100] =	vst v63  }
0x4e: {  	_ =	swait.ge [sflag:s26], $0x2800  }
0x4f: {  	[sflag:s26] =	ssyncset.done $0x0  }
0x50: {  	s9 =	smin.u32 s0, $0x78;
	[sflag:s26] =	ssyncadd.s32 $0xFFFFD800  }
0x51: {  	s7 =	smul.u32 $0x50, s9;
	_ =	swait.ge [sflag:s28], $0x50  }
0x52: {  	[sflag:s28] =	ssyncset.done $0x0  }
0x53: {  	s7 =	sadd.s32 $0x140, s7;
	[sflag:s28] =	ssyncadd.s32 $0xFFFFFFB0  }
0x54: {  	[spmem:s3] =	stream.indirect.scatter.add.f32 [tilespmem:s20], [sflag:$0x5], $0x80, s17, s18, $0xb8;
	[tilespmem:$0x1E100] =	vst v63  }
0x55: {  	s11 =	sadd.s32 s5, s7;
	_ =	swait.ge [sflag:s29], $0x2800  }
0x56: {  	s9 =	sshrl.u32 s11, $0x3;
	[sflag:s29] =	ssyncset.done $0x0  }
0x57: {  	s9 =	sadd.s32 s6, s9;
	[sflag:s29] =	ssyncadd.s32 $0xFFFFD800  }
0x58: {  	[tilespmem:s17], [sflag:$0x8] =	stream.linear.gather [hbm4b:s9+s4], $0x50, $0x38;
	[tilespmem:$0x1E100] =	vst v63  }
0x59: {  	_ = 	snop  }
0x5a: {  	[tilespmem:s20], [sflag:$0x2] =	stream.indirect.gather [hbm4b:s1+s18], $0x80, s7, s18, $0xb8;
	[tilespmem:$0x1E100] =	vst v63  }
0x5b: {  	p0 =	seq.s32 s0, $0x7B;
	_ =	swait.ge [sflag:s30], $0x2800  }
.Ltmp2:
0x5c: {  	[sflag:s30] =	ssyncset.done $0x0;
	(pc) =	sbr.rel @p0 .LBB2_4-.Ltmp2, $4  }
0x5d: {  	[sflag:s30] =	ssyncadd.s32 $0xFFFFD800  }
0x5e: {  	_ =	swait.ge [sflag:s31], $0x50  }
0x5f: {  	[sflag:s31] =	ssyncset.done $0x0  }
0x60: {  	[sflag:s31] =	ssyncadd.s32 $0xFFFFFFB0  }
.Ltmp3:
0x61: {  	(pc) =	sbr.rel .LBB2_2-.Ltmp3, $3  }
0x62: {  	_ =	sdelay $0x1  }
0x63: {  	[spmem:s3] =	stream.indirect.scatter.add.f32 [tilespmem:s22], [sflag:$0x6], $0x80, s21, s18, $0xb8;
	[tilespmem:$0x1E100] =	vst v63  }
0x64: {  	s0 =	sadd.s32 $0x3, s0  }
.LBB2_5:
0x65: {  	_ =	sfence.sel $0x180000  }
0x66: {  	[bflag:$0x0] =	sbarrier.arrive $0xFFFF  }
0x67: {  	_ =	strace $0x9000004A  }
0x68: {  	s0 =	stileid.u32;
	[bflag:$0x2] =	sbarrier.arrive $0xFFFF  }
0x69: {  	p0 =	sne.s32 s0, $0x0;
	s0 =	rddreg [dreg:$0x3]  }
0x6a: {  	s0 =	sadd.s32 @!p0 $0x100000, s0  }
0x6b: {  	[sflag:s0] =	ssyncadd.tile.s32 @!p0 $0x1;
	_ =	shalt  }
.Lfunc_end2:
_tile_overlayer_lowered:
.L_overlay_start_2:
0x6c: {  	(tag) =	ssettag $0x2  }
0x6d: {  	s0 =	rddreg [dreg:$0x0];
	s2 =	stileid.u32  }
0x6e: {  	s1 =	rddreg [dreg:$0x1];
	p0 =	sne.s32 s2, $0x0  }
0x6f: {  	s3 =	rddreg [dreg:$0x2];
	[bflag:$0x3] =	sbarrier.arrive $0xFFFF;
	s2 =	simm.s32 @!p0 $0x1C0A  }
0x70: {  	[timem:s3], [sflag:s2] =	dma.local @!p0 [hbm:s0], s1  }
0x71: {  	s0 =	simm.s32 @!p0 $0xA  }
0x72: {  	_ =	swait.ge @!p0 [sflag:s0], s1  }
0x73: {  	s1 =	ssub.s32 @!p0 $0x0, s1;
	[sflag:s0] =	ssyncset.done @!p0 $0x0  }
0x74: {  	[sflag:s0] =	ssyncadd.s32 @!p0 s1  }
0x75: {  	[bflag:$0x3] =	sbarrier.arrive $0xFFFF  }
0x76: {  	_ =	shalt  }

// kernel: kernel.14.cloned.1.call-start
scs
__scs_entry_jumppad:
0x0: {  	(pc) =	sbr.rel $0x88, $3  }
0x1: {  	(tag) =	ssettag $0x0;
	lr =	simm.s32 $0x1  }
0x2: {  	[smem:$0x3F9B] =	sst lr;
	_ =	strace $0xD0000000  }
0x3: {  	_ = 	snop  }
0x4: {  	_ = 	snop  }
0x5: {  	_ = 	snop  }
0x6: {  	_ = 	snop  }
0x7: {  	_ = 	snop  }
__scs_overlays_trampoline_lowered:
0x8: {  	[smem:$0x3FAA] =	sst s0  }
0x9: {  	[smem:$0x3FAB] =	sst s1  }
0xa: {  	[smem:$0x3FAC] =	sst s2  }
0xb: {  	[smem:$0x3FAD] =	sst s3  }
0xc: {  	[smem:$0x3FAE] =	sst s4  }
0xd: {  	[smem:$0x3FAF] =	sst s5  }
0xe: {  	[smem:$0x3FB0] =	sst s6  }
0xf: {  	[smem:$0x3FB1] =	sst s7  }
0x10: {  	[smem:$0x3FB2] =	sst s8  }
0x11: {  	[smem:$0x3FB3] =	sst s9;
	s0 =	simm.s32 @!p0 $0x0  }
0x12: {  	s1 =	sld [smem:$0x3F99];
	s0 =	simm.s32 @p0 $0x1  }
0x13: {  	[smem:$0x3FB4] =	sst s0;
	s0 =	simm.s32 @!p1 $0x0  }
0x14: {  	s2 =	sld [smem:$0x3F98];
	s0 =	simm.s32 @p1 $0x1  }
0x15: {  	[smem:$0x3FB5] =	sst s0;
	s0 =	simm.s32 @!p2 $0x0  }
0x16: {  	s3 =	sld [smem:$0x3FDB];
	s0 =	simm.s32 @p2 $0x1  }
0x17: {  	s4 =	simm.s32 $0x1BF5;
	[smem:$0x3FB7] =	sst s0  }
0x18: {  	s0 =	sld [smem:$0x3F9A];
	_ =	swait.ge [sflag:s4], $0x0  }
0x19: {  	s7 =	sld [smem:$0x3F9B]  }
0x1a: {  	s8 =	sadd.s32 $0xFFFFE003, lr  }
0x1b: {  	s9 =	sadd.s32 $0xFFFFFEF7, lr;
	s5 =	simm.s32 $0xFFFFFFFF;
	p2 =	slt.u32 s8, $0xFFFFF086  }
0x1c: {  	p1 =	slt.u32 s9, $0xF7A;
	s5 =	simm.s32 @!p2 $0x0  }
0x1d: {  	s5 =	simm.s32 @p1 $0x1;
	p0 =	seq.s32 s7, s2  }
0x1e: {  	s7 =	smul.u32 @!p0 $0xF7A, s2;
	p2 =	seq.s32 @!p0 s5, $0x0  }
0x1f: {  	s9 =	smul.u32 $0xF7A, s1;
	s8 =	simm.s32 @!p0 $0x1BF5;
	p2 =	por !p2, p0  }
0x20: {  	[sflag:s8] =	ssyncset.s32 @!p0 $0xFFFFF086;
	s6 =	sadd.s32 @!p0 s3, s7;
	s7 =	simm.s32 @!p0 $0x108  }
0x21: {  	s3 =	sadd.s32 s3, s9;
	s6 =	sadd.s32 @!p0 $0x88, s6;
	s7 =	simm.s32 @p2 $0x1082  }
0x22: {  	[simem:s7], [sflag:s8] =	dma.local @!p0 [hbm:s6], $0xF7A  }
0x23: {  	s9 =	sor.u32 $0xD0000000, s2;
	s6 =	simm.s32 $0x108;
	_ =	swait.ge @!p0 [sflag:s8], $0x0  }
0x24: {  	s3 =	sadd.s32 $0x88, s3;
	s6 =	simm.s32 @!p1 $0x1082;
	[sflag:s4] =	ssyncset.s32 $0xFFFFF086  }
0x25: {  	[simem:s6], [sflag:s4] =	dma.local [hbm:s3], $0xF7A  }
0x26: {  	[smem:$0x3F9B] =	sst s1;
	(tag) =	ssettag s2;
	_ =	strace s9  }
0x27: {  	s1 =	sld [smem:$0x3FAB]  }
0x28: {  	s2 =	sld [smem:$0x3FAC]  }
0x29: {  	s4 =	sld [smem:$0x3FAE]  }
0x2a: {  	p0 =	seq.s32 s5, $0x0;
	s5 =	sld [smem:$0x3FAF]  }
0x2b: {  	s6 =	sld [smem:$0x3FB0]  }
0x2c: {  	s7 =	sld [smem:$0x3FB1]  }
0x2d: {  	s3 =	simm.s32 $0x108;
	s8 =	sld [smem:$0x3FB2]  }
0x2e: {  	s3 =	simm.s32 @!p0 $0x1082;
	s9 =	sld [smem:$0x3FB3]  }
0x2f: {  	lr =	sadd.s32 s0, s3;
	s0 =	sld [smem:$0x3FAA]  }
0x30: {  	s3 =	sld [smem:$0x3FAD]  }
0x31: {  	[smem:$0x3FB6] =	sst s10  }
0x32: {  	s10 =	sld [smem:$0x3FB4];
	_ =	sdelay $0x3  }
0x33: {  	p0 =	seq.s32 s10, $0x1;
	s10 =	sld [smem:$0x3FB6];
	_ =	sdelay $0x3  }
0x34: {  	[smem:$0x3FB6] =	sst s10  }
0x35: {  	s10 =	sld [smem:$0x3FB5];
	_ =	sdelay $0x3  }
0x36: {  	p1 =	seq.s32 s10, $0x1;
	s10 =	sld [smem:$0x3FB6];
	_ =	sdelay $0x3  }
0x37: {  	[smem:$0x3FB6] =	sst s10  }
0x38: {  	s10 =	sld [smem:$0x3FB7]  }
0x39: {  	_ = 	snop;
	(pc) =	sbr.ind lr, $3  }
0x3a: {  	_ = 	snop  }
0x3b: {  	_ = 	snop  }
0x3c: {  	p2 =	seq.s32 s10, $0x1;
	s10 =	sld [smem:$0x3FB6]  }
0x3d: {  	_ =	shalt  }
0x3e: {  	_ =	shalt  }
0x3f: {  	_ =	shalt  }
0x40: {  	_ =	shalt  }
0x41: {  	_ =	shalt  }
0x42: {  	_ =	shalt  }
0x43: {  	_ =	shalt  }
0x44: {  	_ =	shalt  }
0x45: {  	_ =	shalt  }
0x46: {  	_ =	shalt  }
0x47: {  	_ =	shalt  }
0x48: {  	_ =	shalt  }
0x49: {  	_ =	shalt  }
0x4a: {  	_ =	shalt  }
0x4b: {  	_ =	shalt  }
0x4c: {  	_ =	shalt  }
0x4d: {  	_ =	shalt  }
0x4e: {  	_ =	shalt  }
0x4f: {  	_ =	shalt  }
0x50: {  	_ =	shalt  }
0x51: {  	_ =	shalt  }
0x52: {  	_ =	shalt  }
0x53: {  	_ =	shalt  }
0x54: {  	_ =	shalt  }
0x55: {  	_ =	shalt  }
0x56: {  	_ =	shalt  }
0x57: {  	_ =	shalt  }
0x58: {  	_ =	shalt  }
0x59: {  	_ =	shalt  }
0x5a: {  	_ =	shalt  }
0x5b: {  	_ =	shalt  }
0x5c: {  	_ =	shalt  }
0x5d: {  	_ =	shalt  }
0x5e: {  	_ =	shalt  }
0x5f: {  	_ =	shalt  }
0x60: {  	_ =	shalt  }
0x61: {  	_ =	shalt  }
0x62: {  	_ =	shalt  }
0x63: {  	_ =	shalt  }
0x64: {  	_ =	shalt  }
0x65: {  	_ =	shalt  }
0x66: {  	_ =	shalt  }
0x67: {  	_ =	shalt  }
0x68: {  	_ =	shalt  }
0x69: {  	_ =	shalt  }
0x6a: {  	_ =	shalt  }
0x6b: {  	_ =	shalt  }
0x6c: {  	_ =	shalt  }
0x6d: {  	_ =	shalt  }
0x6e: {  	_ =	shalt  }
0x6f: {  	_ =	shalt  }
0x70: {  	_ =	shalt  }
0x71: {  	_ =	shalt  }
0x72: {  	_ =	shalt  }
0x73: {  	_ =	shalt  }
0x74: {  	_ =	shalt  }
0x75: {  	_ =	shalt  }
0x76: {  	_ =	shalt  }
0x77: {  	_ =	shalt  }
0x78: {  	_ =	shalt  }
0x79: {  	_ =	shalt  }
0x7a: {  	_ =	shalt  }
0x7b: {  	_ =	shalt  }
0x7c: {  	_ =	shalt  }
0x7d: {  	_ =	shalt  }
0x7e: {  	_ =	shalt  }
0x7f: {  	_ =	shalt  }
0x80: {  	_ =	shalt  }
0x81: {  	_ =	shalt  }
0x82: {  	_ =	shalt  }
0x83: {  	_ =	shalt  }
0x84: {  	_ =	shalt  }
0x85: {  	_ =	shalt  }
0x86: {  	_ =	shalt  }
0x87: {  	_ =	shalt  }
.Lfunc_end0:
.L_simem_size_0:
called_computation.2_lowered:
.L_overlay_start_0:
0x88: {  	s2 =	sld [smem:$0x3FD9]  }
0x89: {  	s3 =	sld [smem:$0x3FFE];
	_ =	sdelay $0x1  }
0x8a: {  	s1 =	srdreg.scid  }
0x8b: {  	s0 =	sand.u32 $0x1, s1  }
0x8c: {  	s17 =	sshll.u32 s0, $0xA;
	s2 =	sadd.s32 s3, s2  }
0x8d: {  	s2 =	sadd.s32 s2, s17  }
0x8e: {  	[smem:$0x3FC2] =	sst s2  }
0x8f: {  	_ = 	snop  }
0x90: {  	s2 =	sld [smem:$0x3FD0];
	(tm) =	ssettm $0x1  }
0x91: {  	s18 =	sld [smem:$0x3FFB];
	_ =	sdelay $0x3  }
0x92: {  	_ =	strace s18  }
0x93: {  	s3 =	sld [smem:$0x3FFC];
	_ =	sdelay $0x3  }
0x94: {  	_ =	strace s3  }
0x95: {  	s3 =	sld [smem:$0x3FFD];
	_ =	sdelay $0x3  }
0x96: {  	_ =	strace s3  }
0x97: {  	_ =	strace $0x8FFFFFFF  }
0x98: {  	s19 =	sld [smem:$0x3FDB];
	_ =	sdelay $0x1  }
0x99: {  	s4 =	simm.s32 $_scs_section_size  }
0x9a: {  	s5 =	simm.s32 $_size__tile_overlayer_lowered;
	s6 =	simm.s32 $_tile_overlayer_lowered  }
0x9b: {  	s22 =	simm.s32 $0x1BFF;
	s21 =	sshll.u32 s6, $0x1;
	s3 =	sadd.s32 s4, s19  }
0x9c: {  	s7 =	simm.s32 $0x0;
	s20 =	sshll.u32 s5, $0x1;
	s5 =	sadd.s32 s21, s3  }
0x9d: {  	[timem:s7], [sflag:s22] =	dma.local [hbm:s5], s20  }
0x9e: {  	_ =	swait.ge [sflag:s22], s20  }
0x9f: {  	s4 =	ssub.s32 $0x0, s20;
	[sflag:s22] =	ssyncset.done $0x0  }
0xa0: {  	[sflag:s22] =	ssyncadd.s32 s4;
	_ =	sdelay $0x1  }
0xa1: {  	s23 =	simm.s32 $0x1B8B  }
0xa2: {  	_ =	swait.ge [sflag:s23], $0x1  }
0xa3: {  	[sflag:s23] =	ssyncset.done $0x0  }
0xa4: {  	s25 =	simm.s32 $0x1B8E;
	s24 =	sld [smem:$0x3FFE];
	[sflag:s23] =	ssyncadd.s32 $0xFFFFFFFF  }
0xa5: {  	s26 =	simm.s32 $execute0_lowered;
	[smem:$0x3FD2] =	sst s25  }
0xa6: {  	s5 =	sshll.u32 s26, $0x1;
	_ =	strace $0x8000004C;
	[dreg:$0x1] =	wrdreg $0xFFFFFFFF  }
0xa7: {  	s28 =	simm.s32 $_size_execute0_lowered;
	s3 =	sadd.s32 s3, s5;
	[dreg:$0x0] =	wrdreg $0x0  }
0xa8: {  	s5 =	sshll.u32 s28, $0x1;
	[dreg:$0x2] =	wrdreg s3  }
0xa9: {  	[dreg:$0x3] =	wrdreg s5  }
0xaa: {  	[dreg:$0x4] =	wrdreg $0xC0  }
0xab: {  	_ =	task [dreg:s7], $0x5FFFF  }
0xac: {  	[dreg:$0x1] =	wrdreg $0xFFFFFFFF  }
0xad: {  	[dreg:$0x0] =	wrdreg $0x60  }
0xae: {  	[dreg:$0x2] =	wrdreg s2  }
0xaf: {  	[dreg:$0x3] =	wrdreg s24  }
0xb0: {  	[dreg:$0x4] =	wrdreg $0xA1000  }
0xb1: {  	[dreg:$0x5] =	wrdreg $0x9  }
0xb2: {  	_ =	task.clear_ibuf [dreg:s7], $0x6FFFF;
	_ =	strace $0x9000004C  }
0xb3: {  	s29 =	simm.s32 $0x9;
	_ =	strace $0x8000004E  }
0xb4: {  	_ =	swait.ge [sflag:s29], $0x1  }
0xb5: {  	[sflag:s29] =	ssyncadd.s32 $0xFFFFFFFF  }
0xb6: {  	_ =	strace $0x9000004E  }
0xb7: {  	_ =	sfence  }
0xb8: {  	s30 =	sld [smem:$0x0];
	_ =	sdelay $0x2  }
0xb9: {  	s31 =	sshll.u32 s1, $0xD;
	s1 =	sshrl.u32 s1, $0x2  }
0xba: {  	s3 =	sand.u32 $0x4000, s31;
	s1 =	sadd.s32 s1, s30  }
0xbb: {  	s0 =	sor.u32 s3, s0;
	s1 =	sshll.u32 s1, $0x11  }
0xbc: {  	s0 =	sor.u32 s1, s0  }
0xbd: {  	s0 =	sadd.s32 $0x8F2B, s0  }
0xbe: {  	[sflag:s0] =	ssyncadd.remote.s32 $0x1  }
0xbf: {  	_ =	sfence.sel $0xFFFF  }
0xc0: {  	[dreg:$0x0] =	wrdreg $0xFFFFFFFF;
	(pc) =	sbr.abs _section_cstart, $3  }
0xc1: {  	[dreg:$0x1] =	wrdreg $0xFFFFFFFF  }
0xc2: {  	_ =	task.clear_ibuf [dreg:s7], $0x2FFFF;
	_ =	strace $0x9FFFFFFF  }
0xc3: {  	(tm) =	ssettm $0x7FFFFFFF  }
tec
execute0_lowered:
.L_overlay_start_1:
0x0: {  	(tag) =	ssettag $0x1  }
0x1: {  	s0 =	srdreg.scid;
	s1 =	rddreg [dreg:$0x0]  }
0x2: {  	s2 =	rddreg [dreg:$0x1];
	s13 =	stileid.u32  }
0x3: {  	s3 =	rddreg [dreg:$0x2];
	s15 =	simm.s32 $0xA;
	s16 =	simm.s32 $0x2780  }
0x4: {  	s17 =	simm.s32 $0x2800;
	s18 =	simm.s32 $0x50;
	s19 =	simm.s32 $0x2900  }
0x5: {  	s20 =	simm.s32 $0x5100;
	s28 =	simm.s32 $0x8;
	s29 =	simm.s32 $0x5  }
0x6: {  	s30 =	simm.s32 $0x3;
	s31 =	simm.s32 $0x9;
	s7 =	smul.u32 $0x14000, s13  }
0x7: {  	s0 =	sand.u32 $0x1, s0;
	s6 =	sadd.s32 $0xC600, s2;
	s21 =	smul.u32 $0x50000, s13  }
0x8: {  	s24 =	sshll.u32 s13, $0x6;
	s4 =	sshll.u32 s0, $0x4;
	s8 =	smul.u32 $0x140000, s0  }
0x9: {  	s0 =	ssub.s32 $0x2, s0;
	s5 =	sor.u32 s13, s4;
	s4 =	simm.s32 $0x0  }
0xa: {  	s11 =	sshrl.u32 s7, $0x3;
	s12 =	sshrl.u32 s0, $0x1;
	s22 =	sshrl.u32 s21, $0x2  }
0xb: {  	s21 =	simm.s32 $0x2880;
	s5 =	smul.u32 $0x2710, s5;
	[smem:$0x7FF] =	sst s4  }
0xc: {  	s7 =	sadd.s32 s7, s8;
	s11 =	sadd.s32 s11, s2;
	s0 =	ssub.s32 s0, s12  }
0xd: {  	s14 =	sadd.s32 s22, s3;
	s8 =	sor.u32 $0x1C0A, s24;
	s22 =	simm.s32 $0x7900  }
0xe: {  	s24 =	simm.s32 $0x7;
	_ =	strace $0x8000004D;
	s7 =	sshrl.u32 s7, $0x3  }
0xf: {  	s23 =	sadd.s32 $0x3D600, s11;
	s13 =	smax.u32 s0, $0x1;
	s14 =	sshrl.u32 s14, $0x3  }
.Ltmp0:
0x10: {  	s10 =	sshrl.u32 s5, $0x3;
	[dreg:$0x4] =	wrdreg s23;
	(pc) =	sbr.rel .LBB2_1-.Ltmp0, $4  }
0x11: {  	s23 =	simm.s32 $0x1;
	s9 =	sadd.s32 s10, s2;
	s10 =	sadd.s32 s6, s10  }
0x12: {  	s2 =	sadd.s32 s7, s2;
	s25 =	sadd.s32 $0x2800, s9;
	s26 =	sadd.s32 $0xA, s10  }
0x13: {  	s12 =	sadd.s32 $0x65600, s2;
	s2 =	simm.s32 $0x0;
	[dreg:$0x5] =	wrdreg s25  }
0x14: {  	[dreg:$0x6] =	wrdreg s26;
	s25 =	simm.s32 $0x4;
	s26 =	simm.s32 $0x2  }
.LBB2_4:
0x15: {  	_ =	swait.ge [sflag:s24], $0x50  }
0x16: {  	[sflag:s24] =	ssyncset.done $0x0  }
0x17: {  	[sflag:s24] =	ssyncadd.s32 $0xFFFFFFB0  }
0x18: {  	_ =	swait.ge [sflag:s28], $0x50  }
0x19: {  	[sflag:s28] =	ssyncset.done $0x0  }
0x1a: {  	[sflag:s28] =	ssyncadd.s32 $0xFFFFFFB0  }
0x1b: {  	_ =	swait.ge [sflag:s23], $0x2800  }
0x1c: {  	[sflag:s23] =	ssyncset.done $0x0  }
0x1d: {  	[sflag:s23] =	ssyncadd.s32 $0xFFFFD800  }
0x1e: {  	_ =	swait.ge [sflag:s26], $0x2800  }
0x1f: {  	s2 =	sadd.s32 $0x1, s2;
	[sflag:s26] =	ssyncset.done $0x0  }
0x20: {  	p0 =	sne.s32 s2, s13;
	[sflag:s26] =	ssyncadd.s32 $0xFFFFD800  }
.Ltmp1:
0x21: {  	[bflag:$0x0] =	sbarrier.arrive $0xFFFF;
	(pc) =	sbr.rel @!p0 .LBB2_5-.Ltmp1, $4  }
0x22: {  	[hbm:s12], [sflag:s8] =	dma.local [spmem:s14], $0x2800  }
0x23: {  	_ =	swait.ge [sflag:s15], $0x2800  }
0x24: {  	[sflag:s15] =	ssyncset.done $0x0  }
0x25: {  	[sflag:s15] =	ssyncadd.s32 $0xFFFFD800  }
.LBB2_1:
0x26: {  	s0 =	rddreg [dreg:$0x4]  }
0x27: {  	[spmem:s14], [sflag:s8] =	dma.local [hbm:s0], $0x2800  }
0x28: {  	_ =	swait.ge [sflag:s15], $0x2800  }
0x29: {  	[sflag:s15] =	ssyncset.done $0x0  }
0x2a: {  	s9 =	rddreg [dreg:$0x5];
	[sflag:s15] =	ssyncadd.s32 $0xFFFFD800  }
0x2b: {  	[tilespmem:s4], [sflag:$0xA] =	stream.linear.gather [hbm4b:s9+s4], $0x2710, $0x38;
	[tilespmem:$0x1E100] =	vst v63  }
0x2c: {  	_ =	swait.ge [sflag:s15], $0x2710  }
0x2d: {  	[sflag:s15] =	ssyncset.done $0x0  }
0x2e: {  	[sflag:s15] =	ssyncadd.s32 $0xFFFFD8F0  }
0x2f: {  	[bflag:$0x0] =	sbarrier.arrive $0xFFFF  }
0x30: {  	[tilespmem:s16], [sflag:$0x7] =	stream.linear.gather [hbm4b:s10+s4], $0x50, $0x38;
	[tilespmem:$0x1E100] =	vst v63  }
0x31: {  	s11 =	rddreg [dreg:$0x6]  }
0x32: {  	[tilespmem:s17], [sflag:$0x8] =	stream.linear.gather [hbm4b:s11+s4], $0x50, $0x38;
	[tilespmem:$0x1E100] =	vst v63  }
0x33: {  	_ = 	snop  }
0x34: {  	[tilespmem:s19], [sflag:$0x1] =	stream.indirect.gather [hbm4b:s1+s18], $0x80, s4, s18, $0xb8;
	[tilespmem:$0x1E100] =	vst v63  }
0x35: {  	s0 =	simm.s32 $0x0  }
0x36: {  	[tilespmem:s20], [sflag:$0x2] =	stream.indirect.gather [hbm4b:s1+s18], $0x80, s18, s18, $0xb8;
	[tilespmem:$0x1E100] =	vst v63  }
.LBB2_2:
0x37: {  	s7 =	smin.u32 s0, $0x7A  }
0x38: {  	s9 =	sadd.s32 $0xFFFFFFFF, s0;
	s7 =	smul.u32 $0x50, s7  }
0x39: {  	p0 =	sgt.u32 s9, $0x7C  }
0x3a: {  	s9 =	simm.s32 @!p0 $0x6;
	s7 =	sadd.s32 $0xA0, s7  }
0x3b: {  	_ =	swait.ge @!p0 [sflag:s9], $0x2800;
	s11 =	sadd.s32 s5, s7  }
0x3c: {  	[sflag:s9] =	ssyncset.done @!p0 $0x0;
	s11 =	sshrl.u32 s11, $0x3  }
0x3d: {  	[sflag:s9] =	ssyncadd.s32 @!p0 $0xFFFFD800;
	s11 =	sadd.s32 s6, s11  }
0x3e: {  	[tilespmem:s21], [sflag:$0x9] =	stream.linear.gather [hbm4b:s11+s4], $0x50, $0x38;
	[tilespmem:$0x1E100] =	vst v63  }
0x3f: {  	_ = 	snop  }
0x40: {  	[tilespmem:s22], [sflag:$0x3] =	stream.indirect.gather [hbm4b:s1+s18], $0x80, s7, s18, $0xb8;
	[tilespmem:$0x1E100] =	vst v63  }
0x41: {  	_ =	swait.ge [sflag:s23], $0x2800  }
0x42: {  	[sflag:s23] =	ssyncset.done $0x0  }
0x43: {  	s9 =	smin.u32 s0, $0x79;
	[sflag:s23] =	ssyncadd.s32 $0xFFFFD800  }
0x44: {  	s7 =	smul.u32 $0x50, s9;
	_ =	swait.ge [sflag:s24], $0x50  }
0x45: {  	[sflag:s24] =	ssyncset.done $0x0  }
0x46: {  	s7 =	sadd.s32 $0xF0, s7;
	[sflag:s24] =	ssyncadd.s32 $0xFFFFFFB0  }
0x47: {  	[spmem:s3] =	stream.indirect.scatter.add.f32 [tilespmem:s19], [sflag:$0x4], $0x80, s16, s18, $0xb8;
	[tilespmem:$0x1E100] =	vst v63  }
0x48: {  	s11 =	sadd.s32 s5, s7;
	_ =	swait.ge [sflag:s25], $0x2800  }
0x49: {  	s9 =	sshrl.u32 s11, $0x3;
	[sflag:s25] =	ssyncset.done $0x0  }
0x4a: {  	s9 =	sadd.s32 s6, s9;
	[sflag:s25] =	ssyncadd.s32 $0xFFFFD800  }
0x4b: {  	[tilespmem:s16], [sflag:$0x7] =	stream.linear.gather [hbm4b:s9+s4], $0x50, $0x38;
	[tilespmem:$0x1E100] =	vst v63  }
0x4c: {  	_ = 	snop  }
0x4d: {  	[tilespmem:s19], [sflag:$0x1] =	stream.indirect.gather [hbm4b:s1+s18], $0x80, s7, s18, $0xb8;
	[tilespmem:$0x1E100] =	vst v63  }
0x4e: {  	_ =	swait.ge [sflag:s26], $0x2800  }
0x4f: {  	[sflag:s26] =	ssyncset.done $0x0  }
0x50: {  	s9 =	smin.u32 s0, $0x78;
	[sflag:s26] =	ssyncadd.s32 $0xFFFFD800  }
0x51: {  	s7 =	smul.u32 $0x50, s9;
	_ =	swait.ge [sflag:s28], $0x50  }
0x52: {  	[sflag:s28] =	ssyncset.done $0x0  }
0x53: {  	s7 =	sadd.s32 $0x140, s7;
	[sflag:s28] =	ssyncadd.s32 $0xFFFFFFB0  }
0x54: {  	[spmem:s3] =	stream.indirect.scatter.add.f32 [tilespmem:s20], [sflag:$0x5], $0x80, s17, s18, $0xb8;
	[tilespmem:$0x1E100] =	vst v63  }
0x55: {  	s11 =	sadd.s32 s5, s7;
	_ =	swait.ge [sflag:s29], $0x2800  }
0x56: {  	s9 =	sshrl.u32 s11, $0x3;
	[sflag:s29] =	ssyncset.done $0x0  }
0x57: {  	s9 =	sadd.s32 s6, s9;
	[sflag:s29] =	ssyncadd.s32 $0xFFFFD800  }
0x58: {  	[tilespmem:s17], [sflag:$0x8] =	stream.linear.gather [hbm4b:s9+s4], $0x50, $0x38;
	[tilespmem:$0x1E100] =	vst v63  }
0x59: {  	_ = 	snop  }
0x5a: {  	[tilespmem:s20], [sflag:$0x2] =	stream.indirect.gather [hbm4b:s1+s18], $0x80, s7, s18, $0xb8;
	[tilespmem:$0x1E100] =	vst v63  }
0x5b: {  	p0 =	seq.s32 s0, $0x7B;
	_ =	swait.ge [sflag:s30], $0x2800  }
.Ltmp2:
0x5c: {  	[sflag:s30] =	ssyncset.done $0x0;
	(pc) =	sbr.rel @p0 .LBB2_4-.Ltmp2, $4  }
0x5d: {  	[sflag:s30] =	ssyncadd.s32 $0xFFFFD800  }
0x5e: {  	_ =	swait.ge [sflag:s31], $0x50  }
0x5f: {  	[sflag:s31] =	ssyncset.done $0x0  }
0x60: {  	[sflag:s31] =	ssyncadd.s32 $0xFFFFFFB0  }
.Ltmp3:
0x61: {  	(pc) =	sbr.rel .LBB2_2-.Ltmp3, $3  }
0x62: {  	_ =	sdelay $0x1  }
0x63: {  	[spmem:s3] =	stream.indirect.scatter.add.f32 [tilespmem:s22], [sflag:$0x6], $0x80, s21, s18, $0xb8;
	[tilespmem:$0x1E100] =	vst v63  }
0x64: {  	s0 =	sadd.s32 $0x3, s0  }
.LBB2_5:
0x65: {  	_ =	sfence.sel $0x180000  }
0x66: {  	[bflag:$0x0] =	sbarrier.arrive $0xFFFF  }
0x67: {  	_ =	strace $0x9000004D  }
0x68: {  	s0 =	stileid.u32;
	[bflag:$0x2] =	sbarrier.arrive $0xFFFF  }
0x69: {  	p0 =	sne.s32 s0, $0x0;
	s0 =	rddreg [dreg:$0x3]  }
0x6a: {  	s0 =	sadd.s32 @!p0 $0x100000, s0  }
0x6b: {  	[sflag:s0] =	ssyncadd.tile.s32 @!p0 $0x1;
	_ =	shalt  }
.Lfunc_end2:
_tile_overlayer_lowered:
.L_overlay_start_2:
0x6c: {  	(tag) =	ssettag $0x2  }
0x6d: {  	s0 =	rddreg [dreg:$0x0];
	s2 =	stileid.u32  }
0x6e: {  	s1 =	rddreg [dreg:$0x1];
	p0 =	sne.s32 s2, $0x0  }
0x6f: {  	s3 =	rddreg [dreg:$0x2];
	[bflag:$0x3] =	sbarrier.arrive $0xFFFF;
	s2 =	simm.s32 @!p0 $0x1C0A  }
0x70: {  	[timem:s3], [sflag:s2] =	dma.local @!p0 [hbm:s0], s1  }
0x71: {  	s0 =	simm.s32 @!p0 $0xA  }
0x72: {  	_ =	swait.ge @!p0 [sflag:s0], s1  }
0x73: {  	s1 =	ssub.s32 @!p0 $0x0, s1;
	[sflag:s0] =	ssyncset.done @!p0 $0x0  }
0x74: {  	[sflag:s0] =	ssyncadd.s32 @!p0 s1  }
0x75: {  	[bflag:$0x3] =	sbarrier.arrive $0xFFFF  }
0x76: {  	_ =	shalt  }

// kernel: kernel.8.cloned.1.call-start
scs
__scs_entry_jumppad:
0x0: {  	(pc) =	sbr.rel $0x88, $3  }
0x1: {  	(tag) =	ssettag $0x0;
	lr =	simm.s32 $0x1  }
0x2: {  	[smem:$0x3F9B] =	sst lr;
	_ =	strace $0xD0000000  }
0x3: {  	_ = 	snop  }
0x4: {  	_ = 	snop  }
0x5: {  	_ = 	snop  }
0x6: {  	_ = 	snop  }
0x7: {  	_ = 	snop  }
__scs_overlays_trampoline_lowered:
0x8: {  	[smem:$0x3FAA] =	sst s0  }
0x9: {  	[smem:$0x3FAB] =	sst s1  }
0xa: {  	[smem:$0x3FAC] =	sst s2  }
0xb: {  	[smem:$0x3FAD] =	sst s3  }
0xc: {  	[smem:$0x3FAE] =	sst s4  }
0xd: {  	[smem:$0x3FAF] =	sst s5  }
0xe: {  	[smem:$0x3FB0] =	sst s6  }
0xf: {  	[smem:$0x3FB1] =	sst s7  }
0x10: {  	[smem:$0x3FB2] =	sst s8  }
0x11: {  	[smem:$0x3FB3] =	sst s9;
	s0 =	simm.s32 @!p0 $0x0  }
0x12: {  	s1 =	sld [smem:$0x3F99];
	s0 =	simm.s32 @p0 $0x1  }
0x13: {  	[smem:$0x3FB4] =	sst s0;
	s0 =	simm.s32 @!p1 $0x0  }
0x14: {  	s2 =	sld [smem:$0x3F98];
	s0 =	simm.s32 @p1 $0x1  }
0x15: {  	[smem:$0x3FB5] =	sst s0;
	s0 =	simm.s32 @!p2 $0x0  }
0x16: {  	s3 =	sld [smem:$0x3FDB];
	s0 =	simm.s32 @p2 $0x1  }
0x17: {  	s4 =	simm.s32 $0x1BF5;
	[smem:$0x3FB7] =	sst s0  }
0x18: {  	s0 =	sld [smem:$0x3F9A];
	_ =	swait.ge [sflag:s4], $0x0  }
0x19: {  	s7 =	sld [smem:$0x3F9B]  }
0x1a: {  	s8 =	sadd.s32 $0xFFFFE003, lr  }
0x1b: {  	s9 =	sadd.s32 $0xFFFFFEF7, lr;
	s5 =	simm.s32 $0xFFFFFFFF;
	p2 =	slt.u32 s8, $0xFFFFF086  }
0x1c: {  	p1 =	slt.u32 s9, $0xF7A;
	s5 =	simm.s32 @!p2 $0x0  }
0x1d: {  	s5 =	simm.s32 @p1 $0x1;
	p0 =	seq.s32 s7, s2  }
0x1e: {  	s7 =	smul.u32 @!p0 $0xF7A, s2;
	p2 =	seq.s32 @!p0 s5, $0x0  }
0x1f: {  	s9 =	smul.u32 $0xF7A, s1;
	s8 =	simm.s32 @!p0 $0x1BF5;
	p2 =	por !p2, p0  }
0x20: {  	[sflag:s8] =	ssyncset.s32 @!p0 $0xFFFFF086;
	s6 =	sadd.s32 @!p0 s3, s7;
	s7 =	simm.s32 @!p0 $0x108  }
0x21: {  	s3 =	sadd.s32 s3, s9;
	s6 =	sadd.s32 @!p0 $0x88, s6;
	s7 =	simm.s32 @p2 $0x1082  }
0x22: {  	[simem:s7], [sflag:s8] =	dma.local @!p0 [hbm:s6], $0xF7A  }
0x23: {  	s9 =	sor.u32 $0xD0000000, s2;
	s6 =	simm.s32 $0x108;
	_ =	swait.ge @!p0 [sflag:s8], $0x0  }
0x24: {  	s3 =	sadd.s32 $0x88, s3;
	s6 =	simm.s32 @!p1 $0x1082;
	[sflag:s4] =	ssyncset.s32 $0xFFFFF086  }
0x25: {  	[simem:s6], [sflag:s4] =	dma.local [hbm:s3], $0xF7A  }
0x26: {  	[smem:$0x3F9B] =	sst s1;
	(tag) =	ssettag s2;
	_ =	strace s9  }
0x27: {  	s1 =	sld [smem:$0x3FAB]  }
0x28: {  	s2 =	sld [smem:$0x3FAC]  }
0x29: {  	s4 =	sld [smem:$0x3FAE]  }
0x2a: {  	p0 =	seq.s32 s5, $0x0;
	s5 =	sld [smem:$0x3FAF]  }
0x2b: {  	s6 =	sld [smem:$0x3FB0]  }
0x2c: {  	s7 =	sld [smem:$0x3FB1]  }
0x2d: {  	s3 =	simm.s32 $0x108;
	s8 =	sld [smem:$0x3FB2]  }
0x2e: {  	s3 =	simm.s32 @!p0 $0x1082;
	s9 =	sld [smem:$0x3FB3]  }
0x2f: {  	lr =	sadd.s32 s0, s3;
	s0 =	sld [smem:$0x3FAA]  }
0x30: {  	s3 =	sld [smem:$0x3FAD]  }
0x31: {  	[smem:$0x3FB6] =	sst s10  }
0x32: {  	s10 =	sld [smem:$0x3FB4];
	_ =	sdelay $0x3  }
0x33: {  	p0 =	seq.s32 s10, $0x1;
	s10 =	sld [smem:$0x3FB6];
	_ =	sdelay $0x3  }
0x34: {  	[smem:$0x3FB6] =	sst s10  }
0x35: {  	s10 =	sld [smem:$0x3FB5];
	_ =	sdelay $0x3  }
0x36: {  	p1 =	seq.s32 s10, $0x1;
	s10 =	sld [smem:$0x3FB6];
	_ =	sdelay $0x3  }
0x37: {  	[smem:$0x3FB6] =	sst s10  }
0x38: {  	s10 =	sld [smem:$0x3FB7]  }
0x39: {  	_ = 	snop;
	(pc) =	sbr.ind lr, $3  }
0x3a: {  	_ = 	snop  }
0x3b: {  	_ = 	snop  }
0x3c: {  	p2 =	seq.s32 s10, $0x1;
	s10 =	sld [smem:$0x3FB6]  }
0x3d: {  	_ =	shalt  }
0x3e: {  	_ =	shalt  }
0x3f: {  	_ =	shalt  }
0x40: {  	_ =	shalt  }
0x41: {  	_ =	shalt  }
0x42: {  	_ =	shalt  }
0x43: {  	_ =	shalt  }
0x44: {  	_ =	shalt  }
0x45: {  	_ =	shalt  }
0x46: {  	_ =	shalt  }
0x47: {  	_ =	shalt  }
0x48: {  	_ =	shalt  }
0x49: {  	_ =	shalt  }
0x4a: {  	_ =	shalt  }
0x4b: {  	_ =	shalt  }
0x4c: {  	_ =	shalt  }
0x4d: {  	_ =	shalt  }
0x4e: {  	_ =	shalt  }
0x4f: {  	_ =	shalt  }
0x50: {  	_ =	shalt  }
0x51: {  	_ =	shalt  }
0x52: {  	_ =	shalt  }
0x53: {  	_ =	shalt  }
0x54: {  	_ =	shalt  }
0x55: {  	_ =	shalt  }
0x56: {  	_ =	shalt  }
0x57: {  	_ =	shalt  }
0x58: {  	_ =	shalt  }
0x59: {  	_ =	shalt  }
0x5a: {  	_ =	shalt  }
0x5b: {  	_ =	shalt  }
0x5c: {  	_ =	shalt  }
0x5d: {  	_ =	shalt  }
0x5e: {  	_ =	shalt  }
0x5f: {  	_ =	shalt  }
0x60: {  	_ =	shalt  }
0x61: {  	_ =	shalt  }
0x62: {  	_ =	shalt  }
0x63: {  	_ =	shalt  }
0x64: {  	_ =	shalt  }
0x65: {  	_ =	shalt  }
0x66: {  	_ =	shalt  }
0x67: {  	_ =	shalt  }
0x68: {  	_ =	shalt  }
0x69: {  	_ =	shalt  }
0x6a: {  	_ =	shalt  }
0x6b: {  	_ =	shalt  }
0x6c: {  	_ =	shalt  }
0x6d: {  	_ =	shalt  }
0x6e: {  	_ =	shalt  }
0x6f: {  	_ =	shalt  }
0x70: {  	_ =	shalt  }
0x71: {  	_ =	shalt  }
0x72: {  	_ =	shalt  }
0x73: {  	_ =	shalt  }
0x74: {  	_ =	shalt  }
0x75: {  	_ =	shalt  }
0x76: {  	_ =	shalt  }
0x77: {  	_ =	shalt  }
0x78: {  	_ =	shalt  }
0x79: {  	_ =	shalt  }
0x7a: {  	_ =	shalt  }
0x7b: {  	_ =	shalt  }
0x7c: {  	_ =	shalt  }
0x7d: {  	_ =	shalt  }
0x7e: {  	_ =	shalt  }
0x7f: {  	_ =	shalt  }
0x80: {  	_ =	shalt  }
0x81: {  	_ =	shalt  }
0x82: {  	_ =	shalt  }
0x83: {  	_ =	shalt  }
0x84: {  	_ =	shalt  }
0x85: {  	_ =	shalt  }
0x86: {  	_ =	shalt  }
0x87: {  	_ =	shalt  }
.Lfunc_end0:
.L_simem_size_0:
called_computation_lowered:
.L_overlay_start_0:
0x88: {  	s2 =	sld [smem:$0x3FD9]  }
0x89: {  	s3 =	sld [smem:$0x3FFE];
	_ =	sdelay $0x1  }
0x8a: {  	s1 =	srdreg.scid  }
0x8b: {  	s0 =	sand.u32 $0x1, s1  }
0x8c: {  	s17 =	sshll.u32 s0, $0xA;
	s2 =	sadd.s32 s3, s2  }
0x8d: {  	s2 =	sadd.s32 s2, s17  }
0x8e: {  	[smem:$0x3FC2] =	sst s2  }
0x8f: {  	_ = 	snop  }
0x90: {  	s2 =	sld [smem:$0x3FD0];
	(tm) =	ssettm $0x1  }
0x91: {  	s18 =	sld [smem:$0x3FFB];
	_ =	sdelay $0x3  }
0x92: {  	_ =	strace s18  }
0x93: {  	s3 =	sld [smem:$0x3FFC];
	_ =	sdelay $0x3  }
0x94: {  	_ =	strace s3  }
0x95: {  	s3 =	sld [smem:$0x3FFD];
	_ =	sdelay $0x3  }
0x96: {  	_ =	strace s3  }
0x97: {  	_ =	strace $0x8FFFFFFF  }
0x98: {  	s19 =	sld [smem:$0x3FDB];
	_ =	sdelay $0x1  }
0x99: {  	s4 =	simm.s32 $_scs_section_size  }
0x9a: {  	s5 =	simm.s32 $_size__tile_overlayer_lowered;
	s6 =	simm.s32 $_tile_overlayer_lowered  }
0x9b: {  	s22 =	simm.s32 $0x1BFF;
	s21 =	sshll.u32 s6, $0x1;
	s3 =	sadd.s32 s4, s19  }
0x9c: {  	s7 =	simm.s32 $0x0;
	s20 =	sshll.u32 s5, $0x1;
	s5 =	sadd.s32 s21, s3  }
0x9d: {  	[timem:s7], [sflag:s22] =	dma.local [hbm:s5], s20  }
0x9e: {  	_ =	swait.ge [sflag:s22], s20  }
0x9f: {  	s4 =	ssub.s32 $0x0, s20;
	[sflag:s22] =	ssyncset.done $0x0  }
0xa0: {  	[sflag:s22] =	ssyncadd.s32 s4;
	_ =	sdelay $0x1  }
0xa1: {  	s23 =	simm.s32 $0x1B8B  }
0xa2: {  	_ =	swait.ge [sflag:s23], $0x1  }
0xa3: {  	[sflag:s23] =	ssyncset.done $0x0  }
0xa4: {  	s25 =	simm.s32 $0x1B8E;
	s24 =	sld [smem:$0x3FFE];
	[sflag:s23] =	ssyncadd.s32 $0xFFFFFFFF  }
0xa5: {  	s26 =	simm.s32 $execute0_lowered;
	[smem:$0x3FD2] =	sst s25  }
0xa6: {  	s5 =	sshll.u32 s26, $0x1;
	_ =	strace $0x80000046;
	[dreg:$0x1] =	wrdreg $0xFFFFFFFF  }
0xa7: {  	s28 =	simm.s32 $_size_execute0_lowered;
	s3 =	sadd.s32 s3, s5;
	[dreg:$0x0] =	wrdreg $0x0  }
0xa8: {  	s5 =	sshll.u32 s28, $0x1;
	[dreg:$0x2] =	wrdreg s3  }
0xa9: {  	[dreg:$0x3] =	wrdreg s5  }
0xaa: {  	[dreg:$0x4] =	wrdreg $0xC0  }
0xab: {  	_ =	task [dreg:s7], $0x5FFFF  }
0xac: {  	[dreg:$0x1] =	wrdreg $0xFFFFFFFF  }
0xad: {  	[dreg:$0x0] =	wrdreg $0x60  }
0xae: {  	[dreg:$0x2] =	wrdreg s24  }
0xaf: {  	[dreg:$0x3] =	wrdreg s2  }
0xb0: {  	[dreg:$0x4] =	wrdreg $0x9  }
0xb1: {  	_ =	task.clear_ibuf [dreg:s7], $0x5FFFF;
	_ =	strace $0x90000046  }
0xb2: {  	s29 =	simm.s32 $0x9;
	_ =	strace $0x80000048  }
0xb3: {  	_ =	swait.ge [sflag:s29], $0x1  }
0xb4: {  	[sflag:s29] =	ssyncadd.s32 $0xFFFFFFFF  }
0xb5: {  	_ =	strace $0x90000048  }
0xb6: {  	_ =	sfence  }
0xb7: {  	s30 =	sld [smem:$0x0];
	_ =	sdelay $0x2  }
0xb8: {  	s31 =	sshll.u32 s1, $0xD;
	s1 =	sshrl.u32 s1, $0x2  }
0xb9: {  	s3 =	sand.u32 $0x4000, s31;
	s1 =	sadd.s32 s1, s30  }
0xba: {  	s0 =	sor.u32 s3, s0;
	s1 =	sshll.u32 s1, $0x11  }
0xbb: {  	s0 =	sor.u32 s1, s0  }
0xbc: {  	s0 =	sadd.s32 $0x8F2B, s0  }
0xbd: {  	[sflag:s0] =	ssyncadd.remote.s32 $0x1  }
0xbe: {  	_ =	sfence.sel $0xFFFF  }
0xbf: {  	[dreg:$0x0] =	wrdreg $0xFFFFFFFF;
	(pc) =	sbr.abs _section_cstart, $3  }
0xc0: {  	[dreg:$0x1] =	wrdreg $0xFFFFFFFF  }
0xc1: {  	_ =	task.clear_ibuf [dreg:s7], $0x2FFFF;
	_ =	strace $0x9FFFFFFF  }
0xc2: {  	(tm) =	ssettm $0x7FFFFFFF  }
0xc3: {  	_ =	shalt  }
tec
execute0_lowered:
.L_overlay_start_1:
0x0: {  	(tag) =	ssettag $0x1  }
0x1: {  	s0 =	srdreg.scid;
	s4 =	rddreg [dreg:$0x0]  }
0x2: {  	s5 =	rddreg [dreg:$0x1];
	s2 =	simm.s32 $0x0;
	s3 =	sand.u32 $0x1, s0  }
0x3: {  	s10 =	simm.s32 $0x4F00;
	s0 =	stileid.u32;
	s1 =	sshll.u32 s3, $0x4  }
0x4: {  	s11 =	simm.s32 $0x7680;
	s12 =	simm.s32 $0x80;
	s6 =	sor.u32 s0, s1  }
0x5: {  	s13 =	simm.s32 $0x400;
	s14 =	simm.s32 $0x0;
	s7 =	sshrl.u32 s6, $0x3  }
0x6: {  	[smem:$0x7FF] =	sst s2;
	s8 =	sshll.u32 s0, $0x7;
	s7 =	smul.u32 $0x13C00, s7  }
0x7: {  	s3 =	ssub.s32 $0x2, s3;
	s8 =	sand.u32 $0x380, s8;
	s6 =	smul.u32 $0x4E2, s6  }
0x8: {  	s1 =	rddreg [dreg:$0x2];
	_ =	strace $0x80000047;
	s7 =	sor.u32 s8, s7  }
0x9: {  	s31 =	sshrl.u32 s3, $0x1;
	s6 =	sadd.s32 s6, s4;
	s7 =	sshrl.u32 s7, $0x3  }
0xa: {  	s8 =	ssub.s32 s3, s31;
	s3 =	sadd.s32 $0xC600, s6;
	s9 =	sadd.s32 s7, s4  }
0xb: {  	s4 =	sadd.s32 $0x2800, s6;
	s5 =	sadd.s32 s5, s7;
	s7 =	smax.u32 s8, $0x1  }
0xc: {  	v0 =	vimm.f32 $0.0e+00;
	v1 =	vimm.f32 $1.000000000e+00;
	s8 =	simm.s32 $0x1;
	s6 =	sadd.s32 $0x16400, s9;
	s9 =	simm.s32 $0x2780  }
.LBB2_1:
0xd: {  	[tilespmem:s2], [sflag:$0x1] =	stream.linear.gather [hbm4b:s3+s2], $0x2710, $0x38;
	[tilespmem:$0x9E00] =	vst v63  }
0xe: {  	_ =	swait.ge [sflag:s8], $0x2710  }
0xf: {  	[sflag:s8] =	ssyncset.done $0x0  }
0x10: {  	[sflag:s8] =	ssyncadd.s32 $0xFFFFD8F0  }
0x11: {  	[tilespmem:s9], [sflag:$0x1] =	stream.linear.gather [hbm4b:s4+s2], $0x2710, $0x38;
	[tilespmem:$0x9E00] =	vst v63  }
0x12: {  	_ =	swait.ge [sflag:s8], $0x2710  }
0x13: {  	[sflag:s8] =	ssyncset.done $0x0  }
0x14: {  	s15 =	simm.s32 $0x0;
	[sflag:s8] =	ssyncadd.s32 $0xFFFFD8F0  }
.LBB2_2:
0x15: {  	p0 =	sne.s32 s15, $0x9C00  }
.Ltmp0:
0x16: {  	_ = 	snop;
	(pc) =	sbr.rel @p0 .LBB2_2-.Ltmp0, $4  }
0x17: {  	_ = 	snop  }
0x18: {  	s16 =	sshra.s32 s15, $0x2  }
0x19: {  	[tilespmem:s16+$0x4F00] =	vst v0  }
0x1a: {  	s15 =	sadd.s32 $0x40, s15;
	[tilespmem:s16+$0x7680] =	vst v0  }
0x1b: {  	s15 =	simm.s32 $0x0  }
.LBB2_4:
0x1c: {  	s16 =	sshra.s32 s15, $0x2  }
0x1d: {  	v2 =	vld [tilespmem:s16+$0x2780];
	_ =	sdelay $0x7  }
0x1e: {  	[tilespmem:v2+s10+$0x0] =	vst.idx.add.f32.msk $0xffff, v1  }
0x1f: {  	v3 =	vld [tilespmem:s16+$0x0];
	_ =	sdelay $0x4  }
0x20: {  	vm0 =	veq.s32 v3, v2  }
0x21: {  	p0 =	sne.s32 s15, $0x9C00  }
.Ltmp1:
0x22: {  	_ = 	snop;
	(pc) =	sbr.rel @p0 .LBB2_4-.Ltmp1, $2  }
0x23: {  	_ =	sdelay $0x2  }
0x24: {  	s15 =	sadd.s32 $0x40, s15;
	[tilespmem:v3+s11+$0x0] =	vst.idx.add.f32.msk vm0, v1  }
0x25: {  	[hbm4b:s5+s12] =	stream.strided.scatter [tilespmem:s10], [sflag:$0x1], $0x2780, s13, s12, $0x38;
	[tilespmem:$0x9E00] =	vst v63  }
0x26: {  	s14 =	sadd.s32 $0x1, s14;
	_ =	swait.ge [sflag:s8], $0x2780  }
0x27: {  	p0 =	sne.s32 s14, s7;
	[sflag:s8] =	ssyncset.done $0x0  }
.Ltmp2:
0x28: {  	[sflag:s8] =	ssyncadd.s32 $0xFFFFD880;
	(pc) =	sbr.rel @p0 .LBB2_1-.Ltmp2, $4  }
0x29: {  	[hbm4b:s6+s12] =	stream.strided.scatter [tilespmem:s11], [sflag:$0x1], $0x2780, s13, s12, $0x38;
	[tilespmem:$0x9E00] =	vst v63  }
0x2a: {  	_ =	swait.ge [sflag:s8], $0x2780  }
0x2b: {  	[sflag:s8] =	ssyncset.done $0x0  }
0x2c: {  	[sflag:s8] =	ssyncadd.s32 $0xFFFFD880  }
0x2d: {  	_ =	sfence.sel $0x180000  }
0x2e: {  	[bflag:$0x0] =	sbarrier.arrive $0xFFFF  }
0x2f: {  	p0 =	sne.s32 s0, $0x0;
	_ =	strace $0x90000047  }
0x30: {  	s0 =	sadd.s32 @!p0 $0x100000, s1;
	[bflag:$0x2] =	sbarrier.arrive $0xFFFF  }
0x31: {  	[sflag:s0] =	ssyncadd.tile.s32 @!p0 $0x1;
	_ =	shalt  }
.Lfunc_end2:
_tile_overlayer_lowered:
.L_overlay_start_2:
0x32: {  	(tag) =	ssettag $0x2  }
0x33: {  	s0 =	rddreg [dreg:$0x0];
	s2 =	stileid.u32  }
0x34: {  	s1 =	rddreg [dreg:$0x1];
	p0 =	sne.s32 s2, $0x0  }
0x35: {  	s3 =	rddreg [dreg:$0x2];
	[bflag:$0x3] =	sbarrier.arrive $0xFFFF;
	s2 =	simm.s32 @!p0 $0x1C01  }
0x36: {  	[timem:s3], [sflag:s2] =	dma.local @!p0 [hbm:s0], s1  }
0x37: {  	s0 =	simm.s32 @!p0 $0x1  }
0x38: {  	_ =	swait.ge @!p0 [sflag:s0], s1  }
0x39: {  	s1 =	ssub.s32 @!p0 $0x0, s1;
	[sflag:s0] =	ssyncset.done @!p0 $0x0  }
0x3a: {  	[sflag:s0] =	ssyncadd.s32 @!p0 s1  }
0x3b: {  	[bflag:$0x3] =	sbarrier.arrive $0xFFFF  }
0x3c: {  	_ =	shalt  }

</sc_bundles>
